<compile_context>
chip_gen: v7x
topology: tpu7x:2x2x1
jax: 0.10.2.dev20260603
libtpu: 0.0.44.dev20260713+nightly
codegen_flags: <defaults>
</compile_context>

<pallas_src>
import functools

import jax
import jax.numpy as jnp
from jax import lax
from jax.experimental import pallas as pl
from jax.experimental.pallas import tpu as pltpu
from jax.experimental.pallas import tpu_sc as plsc

B = 4096
PATH_LEN = 50
CHAR_LEN = 200
D = 64
SEQ = 1 + PATH_LEN + 1 + CHAR_LEN
EPS = 1e-5

NC, NS = 2, 16
NW = NC * NS
GROWS = 128
GPC = 4
CHUNK = GROWS * GPC
N_REAL = B * (CHAR_LEN + 2)
CPW = -(-N_REAL // (NW * CHUNK))
NPAD = NW * CPW * CHUNK
CPW_FAST = 52
CPW_SLOW = 2 * CPW - CPW_FAST
CS_PAIR0 = B * CHAR_LEN // 2


def _sc_gather_body(idx_hbm, table_hbm, out_hbm, idx_v, rows_v,
                    sidx0, sidx1, sg0, sg1, so0, so1):
    core = lax.axis_index("c")
    sub = lax.axis_index("s")
    base_chunk = jnp.where(core == 0, sub * CPW_FAST,
                           NS * CPW_FAST + sub * CPW_SLOW)
    count = jnp.where(core == 0, CPW_FAST, CPW_SLOW)
    sidx = (sidx0, sidx1)
    sg = (sg0, sg1)
    so = (so0, so1)

    def idx_start(c, b):
        pltpu.async_copy(idx_hbm.at[pl.ds((base_chunk + c) * GPC, GPC)],
                         idx_v.at[b], sidx[b])

    idx_start(0, 0)
    idx_start(1, 1)

    def it_body(it, carry):
        for b in range(2):
            c = 2 * it + b

            @pl.when(it > 0)
            def _():
                pltpu.make_async_copy(
                    rows_v.at[b], out_hbm.at[pl.ds(0, CHUNK)], so[b]).wait()

            pltpu.make_async_copy(
                idx_hbm.at[pl.ds(0, GPC)], idx_v.at[b], sidx[b]).wait()

            gathers = [
                pltpu.async_copy(
                    table_hbm.at[idx_v.at[b].at[j]],
                    rows_v.at[b].at[pl.ds(j * GROWS, GROWS)],
                    sg[b],
                )
                for j in range(GPC)
            ]
            for cp in gathers:
                cp.wait()

            @pl.when(c + 2 < count)
            def _():
                idx_start(c + 2, b)

            pltpu.async_copy(
                rows_v.at[b],
                out_hbm.at[pl.ds((base_chunk + c) * CHUNK, CHUNK)],
                so[b])
        return carry

    lax.fori_loop(0, count // 2, it_body, 0)
    for b in range(2):
        pltpu.make_async_copy(
            rows_v.at[b], out_hbm.at[pl.ds(0, CHUNK)], so[b]).wait()


@functools.lru_cache(maxsize=1)
def _sc_gather():
    return pl.kernel(
        _sc_gather_body,
        mesh=plsc.VectorSubcoreMesh(core_axis_name="c", subcore_axis_name="s"),
        out_type=jax.ShapeDtypeStruct((NPAD, D), jnp.float32),
        scratch_types=[
            pltpu.VMEM((2, GPC, GROWS), jnp.int32),
            pltpu.VMEM((2, CHUNK, D), jnp.float32),
            pltpu.SemaphoreType.DMA,
            pltpu.SemaphoreType.DMA,
            pltpu.SemaphoreType.DMA,
            pltpu.SemaphoreType.DMA,
            pltpu.SemaphoreType.DMA,
            pltpu.SemaphoreType.DMA,
        ],
        compiler_params=pltpu.CompilerParams(use_tc_tiling_on_sc=False),
    )


NB = 64
NPAIR_LO = 26
NPAIR_HI = 100
NPAIRS = NPAIR_LO + NPAIR_HI


def _tc_finish(char_ref, cs_ref, cevx_ref, cevy_ref, cevz_ref,
               codx_ref, cody_ref, codz_ref, w_ref, b_ref,
               pospair_ref, type_ref, gamma_ref, beta_ref, out_ref):
    g2 = jnp.concatenate([gamma_ref[...], gamma_ref[...]], axis=-1)
    b2 = jnp.concatenate([beta_ref[...], beta_ref[...]], axis=-1)
    t0 = type_ref[0:1, :]
    t00 = jnp.concatenate([t0, t0], axis=-1)[None]
    t1 = type_ref[1:2, :]
    t11 = jnp.concatenate([t1, t1], axis=-1)[None]

    ri = lax.broadcasted_iota(jnp.int32, (128, 128), 0) // 64
    ci = lax.broadcasted_iota(jnp.int32, (128, 128), 1) // 64
    m_half = (ri == ci).astype(jnp.float32)

    def ln2(x):
        r, p, _ = x.shape
        x2 = x.reshape(r * p, 128)
        s = lax.dot(x2, m_half)
        q = lax.dot(x2 * x2, m_half)
        mu = s * (1.0 / 64.0)
        v = q * (1.0 / 64.0) - mu * mu
        y = (x2 - mu) * lax.rsqrt(v + EPS) * g2 + b2
        return y.reshape(r, p, 128)

    w0 = w_ref[0:1, :]
    w1 = w_ref[1:2, :]
    w2 = w_ref[2:3, :]
    bp = b_ref[...]
    pe_l = (cevx_ref[...][:, :, None] * w0 + cevy_ref[...][:, :, None] * w1
            + cevz_ref[...][:, :, None] * w2 + bp)
    pe_r = (codx_ref[...][:, :, None] * w0 + cody_ref[...][:, :, None] * w1
            + codz_ref[...][:, :, None] * w2 + bp)
    lo = jnp.concatenate([pe_l, pe_r], axis=-1)
    pi = lax.broadcasted_iota(jnp.int32, (1, NPAIR_LO, 128), 1)
    li = lax.broadcasted_iota(jnp.int32, (1, NPAIR_LO, 128), 2)
    cs_mask = ((pi == 0) & (li < D)) | ((pi == NPAIR_LO - 1) & (li >= D))
    lo = jnp.where(cs_mask, cs_ref[...][:, None, :], lo)
    x_lo = lo + pospair_ref[0:NPAIR_LO, :][None] + t00
    out_ref[:, 0:NPAIR_LO, :] = ln2(x_lo)

    x_hi = (char_ref[...].reshape(NB, NPAIR_HI, 2 * D)
            + pospair_ref[NPAIR_LO:NPAIRS, :][None] + t11)
    out_ref[:, NPAIR_LO:NPAIRS, :] = ln2(x_hi)


def _build_idx(char_tokens, cls_token, sep_token):
    return jnp.concatenate([
        char_tokens.reshape(-1).astype(jnp.int32),
        jnp.concatenate([cls_token.astype(jnp.int32),
                         sep_token.astype(jnp.int32)], axis=1).reshape(-1),
        jnp.zeros((NPAD - N_REAL,), jnp.int32),
    ])


def _tc_call(staging_pairs, path_coords, W_path, b_path, pos_table,
             type_table, gamma, beta, interpret=False):

    zero3 = jnp.zeros((B, 1, 3), path_coords.dtype)
    cext = jnp.concatenate([zero3, path_coords, zero3], axis=1)
    cev = cext[:, 0::2, :]
    cod = cext[:, 1::2, :]

    grid = (B // NB,)
    cs_block0 = CS_PAIR0 // NB
    out = pl.pallas_call(
        _tc_finish,
        grid=grid,
        in_specs=[
            pl.BlockSpec((NB * NPAIR_HI, 2 * D), lambda i: (i, 0)),
            pl.BlockSpec((NB, 2 * D), lambda i: (cs_block0 + i, 0)),
            pl.BlockSpec((NB, NPAIR_LO), lambda i: (i, 0)),
            pl.BlockSpec((NB, NPAIR_LO), lambda i: (i, 0)),
            pl.BlockSpec((NB, NPAIR_LO), lambda i: (i, 0)),
            pl.BlockSpec((NB, NPAIR_LO), lambda i: (i, 0)),
            pl.BlockSpec((NB, NPAIR_LO), lambda i: (i, 0)),
            pl.BlockSpec((NB, NPAIR_LO), lambda i: (i, 0)),
            pl.BlockSpec((3, D), lambda i: (0, 0)),
            pl.BlockSpec((1, D), lambda i: (0, 0)),
            pl.BlockSpec((NPAIRS, 2 * D), lambda i: (0, 0)),
            pl.BlockSpec((2, D), lambda i: (0, 0)),
            pl.BlockSpec((1, D), lambda i: (0, 0)),
            pl.BlockSpec((1, D), lambda i: (0, 0)),
        ],
        out_specs=pl.BlockSpec((NB, NPAIRS, 2 * D), lambda i: (i, 0, 0)),
        out_shape=jax.ShapeDtypeStruct((B, NPAIRS, 2 * D), jnp.float32),
        interpret=interpret,
    )(staging_pairs, staging_pairs,
      cev[:, :, 0], cev[:, :, 1], cev[:, :, 2],
      cod[:, :, 0], cod[:, :, 1], cod[:, :, 2],
      W_path, b_path.reshape(1, D), pos_table.reshape(NPAIRS, 2 * D),
      type_table, gamma.reshape(1, D), beta.reshape(1, D))
    return out.reshape(B, SEQ, D)


def kernel(path_coords, char_tokens, cls_token, sep_token, W_path, b_path,
           char_table, pos_table, type_table, gamma, beta):
    idx = _build_idx(char_tokens, cls_token, sep_token).reshape(
        NPAD // GROWS, GROWS)
    staging = _sc_gather()(idx, char_table)
    staging_pairs = staging.reshape(NPAD // 2, 2 * D)
    return _tc_call(staging_pairs, path_coords, W_path, b_path, pos_table,
                    type_table, gamma, beta)

# --- scband reference (transcript-rebuilt; emitter-appended) ---
"""Pipeline reference for scband-mixed-embedding-52871047414229 (READ-ONLY COPY).

The authoritative reference and input builder live on the scoring server;
editing this copy changes nothing except your own understanding.
"""

import jax, jax.numpy as jnp
import numpy as np

B = 4096
PATH_LEN = 50
CHAR_LEN = 200
D = 64
VOCAB = 100000
MAX_SEQ = 1 + PATH_LEN + 1 + CHAR_LEN  # 252
EPS = 1e-5


def setup_inputs(seed: int = 0) -> dict:
    key = jax.random.key(seed)
    ks = jax.random.split(key, 11)
    path_coords = jax.random.normal(ks[0], (B, PATH_LEN, 3), dtype=jnp.float32)
    char_tokens = jax.random.randint(ks[1], (B, CHAR_LEN), 0, VOCAB, dtype=jnp.int64 if jax.config.jax_enable_x64 else jnp.int32)
    cls_token = jax.random.randint(ks[2], (B, 1), 0, VOCAB, dtype=jnp.int64 if jax.config.jax_enable_x64 else jnp.int32)
    sep_token = jax.random.randint(ks[3], (B, 1), 0, VOCAB, dtype=jnp.int64 if jax.config.jax_enable_x64 else jnp.int32)
    W_path = jax.random.normal(ks[4], (3, D), dtype=jnp.float32) * 0.02
    b_path = jnp.zeros((D,), dtype=jnp.float32)
    char_table = jax.random.normal(ks[5], (VOCAB, D), dtype=jnp.float32) * 0.02
    char_table = char_table.at[0].set(0.0)  # padding_idx=0
    pos_table = jax.random.normal(ks[6], (MAX_SEQ, D), dtype=jnp.float32) * 0.02
    type_table = jax.random.normal(ks[7], (2, D), dtype=jnp.float32) * 0.02
    gamma = jnp.ones((D,), dtype=jnp.float32)
    beta = jnp.zeros((D,), dtype=jnp.float32)
    return {
        "path_coords": path_coords,
        "char_tokens": char_tokens,
        "cls_token": cls_token,
        "sep_token": sep_token,
        "W_path": W_path,
        "b_path": b_path,
        "char_table": char_table,
        "pos_table": pos_table,
        "type_table": type_table,
        "gamma": gamma,
        "beta": beta,
    }


def _layer_norm(x, gamma, beta):
    mu = jnp.mean(x, axis=-1, keepdims=True)
    var = jnp.mean(jnp.square(x - mu), axis=-1, keepdims=True)
    return (x - mu) / jnp.sqrt(var + EPS) * gamma + beta


def reference(path_coords, char_tokens, cls_token, sep_token, W_path, b_path,
              char_table, pos_table, type_table, gamma, beta):
    batch = path_coords.shape[0]
    path_len = path_coords.shape[1]
    char_len = char_tokens.shape[1]
    # enforce padding_idx=0 (row 0 is zero embedding)
    mask = jnp.ones((VOCAB, 1), dtype=char_table.dtype).at[0].set(0.0)
    ct = char_table * mask
    cls_emb = jnp.take(ct, cls_token, axis=0)            # [B, 1, D]
    path_emb = path_coords @ W_path + b_path             # [B, path_len, D]
    sep_emb = jnp.take(ct, sep_token, axis=0)            # [B, 1, D]
    char_emb = jnp.take(ct, char_tokens, axis=0)         # [B, char_len, D]
    sequence = jnp.concatenate([cls_emb, path_emb, sep_emb, char_emb], axis=1)
    seq_len = sequence.shape[1]
    positions = jnp.broadcast_to(jnp.arange(seq_len)[None, :], (batch, seq_len))
    pos_emb = jnp.take(pos_table, positions, axis=0)     # [B, S, D]
    type_ids = jnp.concatenate([
        jnp.zeros((batch, 1 + path_len + 1), dtype=jnp.int32),
        jnp.ones((batch, char_len), dtype=jnp.int32),
    ], axis=1)
    type_emb = jnp.take(type_table, type_ids, axis=0)    # [B, S, D]
    embeddings = sequence + pos_emb + type_emb
    embeddings = _layer_norm(embeddings, gamma, beta)
    # dropout is identity in eval mode
    return embeddings

if __name__ == "__main__":
    import jax
    _d = setup_inputs()
    print(jax.jit(kernel)(*tuple(_d.values())))

</pallas_src>

<mosaic_0001>
#map = affine_map<(d0, d1) -> (0, 0)>
module attributes {stable_mosaic.version = 14 : i64} {
  func.func @_sc_gather_body(%arg0: i32, %arg1: i32, %arg2: memref<6528x128xi32, #tpu.memory_space<hbm>>, %arg3: memref<100000x64xf32, #tpu.memory_space<hbm>>, %arg4: memref<835584x64xf32, #tpu.memory_space<hbm>>, %arg5: memref<2x4x128xi32, #tpu.memory_space<vmem>>, %arg6: memref<2x512x64xf32, #tpu.memory_space<vmem>>, %arg7: memref<!tpu.dma_semaphore, #tpu.memory_space<semaphore_mem>>, %arg8: memref<!tpu.dma_semaphore, #tpu.memory_space<semaphore_mem>>, %arg9: memref<!tpu.dma_semaphore, #tpu.memory_space<semaphore_mem>>, %arg10: memref<!tpu.dma_semaphore, #tpu.memory_space<semaphore_mem>>, %arg11: memref<!tpu.dma_semaphore, #tpu.memory_space<semaphore_mem>>, %arg12: memref<!tpu.dma_semaphore, #tpu.memory_space<semaphore_mem>>) attributes {dimension_semantics = [#tpu.dimension_semantics<core_parallel>, #tpu.dimension_semantics<subcore_parallel>], iteration_bounds = array<i64: 2, 16>, scalar_prefetch = 0 : i64, scratch_operands = 8 : i64, tpu.core_type = #tpu.core_type<sc_vector_subcore>, window_params = [{transform_indices = #map}, {transform_indices = #map}, {transform_indices = #map}]} {
    %eq3A = arith.constant 0 : i32
    %eq3A_0 = arith.cmpi eq, %arg0, %eq3A : i32
    %mul3A = arith.constant 52 : i32
    %mul3A_1 = arith.muli %arg1, %mul3A : i32
    %mul3A_2 = arith.constant 50 : i32
    %mul3A_3 = arith.muli %arg1, %mul3A_2 : i32
    %add3A = arith.constant 832 : i32
    %add3A_4 = arith.addi %add3A, %mul3A_3 : i32
    %select_n3A = arith.select %eq3A_0, %mul3A_1, %add3A_4 : i32
    %eq3A_5 = arith.constant 0 : i32
    %eq3A_6 = arith.cmpi eq, %arg0, %eq3A_5 : i32
    %jit3A = arith.constant 52 : i32
    %jit3A_7 = arith.constant 50 : i32
    %select_n3A_8 = arith.select %eq3A_6, %jit3A, %jit3A_7 : i32
    %add3A_9 = arith.constant 0 : i32
    %add3A_10 = arith.addi %select_n3A, %add3A_9 : i32
    %mul3A_11 = arith.constant 4 : i32
    %mul3A_12 = arith.muli %add3A_10, %mul3A_11 : i32
    %dma_start3A = arith.constant 0 : i32
    %dma_start3A_13 = arith.constant 0 : i32
    %dma_start3A_14 = arith.constant 0 : i32
    %dma_start3A_15 = tpu.memref_slice %arg5[%dma_start3A, %dma_start3A_13, %dma_start3A_14] : memref<2x4x128xi32, #tpu.memory_space<vmem>> -> memref<1x4x128xi32, #tpu.memory_space<vmem>>
    %dma_start3A_16 = tpu.memref_squeeze %dma_start3A_15 : memref<1x4x128xi32, #tpu.memory_space<vmem>> -> memref<4x128xi32, #tpu.memory_space<vmem>>
    %dma_start3A_17 = arith.constant 0 : i32
    %dma_start3A_18 = tpu.memref_slice %arg2[%mul3A_12, %dma_start3A_17] : memref<6528x128xi32, #tpu.memory_space<hbm>> -> memref<4x128xi32, #tpu.memory_space<hbm>>
    %dma_start3A_19 = arith.constant 0 : i32
    %dma_start3A_20 = arith.constant 0 : i32
    %dma_start3A_21 = tpu.memref_slice %arg5[%dma_start3A, %dma_start3A_19, %dma_start3A_20] : memref<2x4x128xi32, #tpu.memory_space<vmem>> -> memref<1x4x128xi32, #tpu.memory_space<vmem>>
    %dma_start3A_22 = tpu.memref_squeeze %dma_start3A_21 : memref<1x4x128xi32, #tpu.memory_space<vmem>> -> memref<4x128xi32, #tpu.memory_space<vmem>>
    %dma_start3A_23 = arith.constant 0 : i32
    %dma_start3A_24 = tpu.memref_slice %arg2[%mul3A_12, %dma_start3A_23] : memref<6528x128xi32, #tpu.memory_space<hbm>> -> memref<4x128xi32, #tpu.memory_space<hbm>>
    tpu.enqueue_dma source(%dma_start3A_24 : memref<4x128xi32, #tpu.memory_space<hbm>>) target(%dma_start3A_22 : memref<4x128xi32, #tpu.memory_space<vmem>>) target_semaphore(%arg7 : memref<!tpu.dma_semaphore, #tpu.memory_space<semaphore_mem>>)
    %add3A_25 = arith.constant 1 : i32
    %add3A_26 = arith.addi %select_n3A, %add3A_25 : i32
    %mul3A_27 = arith.constant 4 : i32
    %mul3A_28 = arith.muli %add3A_26, %mul3A_27 : i32
    %dma_start3A_29 = arith.constant 1 : i32
    %dma_start3A_30 = arith.constant 0 : i32
    %dma_start3A_31 = arith.constant 0 : i32
    %dma_start3A_32 = tpu.memref_slice %arg5[%dma_start3A_29, %dma_start3A_30, %dma_start3A_31] : memref<2x4x128xi32, #tpu.memory_space<vmem>> -> memref<1x4x128xi32, #tpu.memory_space<vmem>>
    %dma_start3A_33 = tpu.memref_squeeze %dma_start3A_32 : memref<1x4x128xi32, #tpu.memory_space<vmem>> -> memref<4x128xi32, #tpu.memory_space<vmem>>
    %dma_start3A_34 = arith.constant 0 : i32
    %dma_start3A_35 = tpu.memref_slice %arg2[%mul3A_28, %dma_start3A_34] : memref<6528x128xi32, #tpu.memory_space<hbm>> -> memref<4x128xi32, #tpu.memory_space<hbm>>
    %dma_start3A_36 = arith.constant 0 : i32
    %dma_start3A_37 = arith.constant 0 : i32
    %dma_start3A_38 = tpu.memref_slice %arg5[%dma_start3A_29, %dma_start3A_36, %dma_start3A_37] : memref<2x4x128xi32, #tpu.memory_space<vmem>> -> memref<1x4x128xi32, #tpu.memory_space<vmem>>
    %dma_start3A_39 = tpu.memref_squeeze %dma_start3A_38 : memref<1x4x128xi32, #tpu.memory_space<vmem>> -> memref<4x128xi32, #tpu.memory_space<vmem>>
    %dma_start3A_40 = arith.constant 0 : i32
    %dma_start3A_41 = tpu.memref_slice %arg2[%mul3A_28, %dma_start3A_40] : memref<6528x128xi32, #tpu.memory_space<hbm>> -> memref<4x128xi32, #tpu.memory_space<hbm>>
    tpu.enqueue_dma source(%dma_start3A_41 : memref<4x128xi32, #tpu.memory_space<hbm>>) target(%dma_start3A_39 : memref<4x128xi32, #tpu.memory_space<vmem>>) target_semaphore(%arg8 : memref<!tpu.dma_semaphore, #tpu.memory_space<semaphore_mem>>)
    %jit3A_42 = arith.constant 2 : i32
    %div3A = arith.divsi %select_n3A_8, %jit3A_42 : i32
    %sign3A = arith.constant 0 : i32
    %sign3A_43 = arith.cmpi sgt, %select_n3A_8, %sign3A : i32
    %sign3A_44 = arith.extui %sign3A_43 : i1 to i32
    %sign3A_45 = arith.constant 0 : i32
    %sign3A_46 = arith.cmpi slt, %select_n3A_8, %sign3A_45 : i32
    %sign3A_47 = arith.extui %sign3A_46 : i1 to i32
    %sign3A_48 = arith.subi %sign3A_44, %sign3A_47 : i32
    %sign3A_49 = arith.constant 0 : i32
    %sign3A_50 = arith.cmpi sgt, %jit3A_42, %sign3A_49 : i32
    %sign3A_51 = arith.extui %sign3A_50 : i1 to i32
    %sign3A_52 = arith.constant 0 : i32
    %sign3A_53 = arith.cmpi slt, %jit3A_42, %sign3A_52 : i32
    %sign3A_54 = arith.extui %sign3A_53 : i1 to i32
    %sign3A_55 = arith.subi %sign3A_51, %sign3A_54 : i32
    %ne3A = arith.cmpi ne, %sign3A_48, %sign3A_55 : i32
    %rem3A = arith.remsi %select_n3A_8, %jit3A_42 : i32
    %ne3A_56 = arith.constant 0 : i32
    %ne3A_57 = arith.cmpi ne, %rem3A, %ne3A_56 : i32
    %and3A = arith.andi %ne3A, %ne3A_57 : i1
    %sub3A = arith.constant 1 : i32
    %sub3A_58 = arith.subi %div3A, %sub3A : i32
    %select_n3A_59 = arith.select %and3A, %sub3A_58, %div3A : i32
    %while3A = arith.constant 0 : i32
    %while3A_60 = arith.constant 0 : i32
    %while3A_61 = arith.subi %select_n3A_59, %while3A_60 : i32
    %while3A_62 = arith.addi %while3A_60, %while3A_61 : i32
    %while3A_63 = arith.constant 1 : i32
    %while3A_64 = arith.divsi %while3A_61, %while3A_63 : i32
    %while3A_65 = arith.muli %while3A_64, %while3A_63 : i32
    %while3A_66 = arith.addi %while3A_60, %while3A_65 : i32
    %while3A_67 = arith.constant 1 : i32
    scf.for %while3A_98 = %while3A_60 to %while3A_66 step %while3A_67  : i32 {
      %mul3A_99 = arith.constant 2 : i32
      %mul3A_100 = arith.muli %mul3A_99, %while3A_98 : i32
      %add3A_101 = arith.constant 0 : i32
      %add3A_102 = arith.addi %mul3A_100, %add3A_101 : i32
      %gt3A = arith.constant 0 : i32
      %gt3A_103 = arith.cmpi sgt, %while3A_98, %gt3A : i32
      %convert_element_type3A = arith.extui %gt3A_103 : i1 to i32
      %cond3A = arith.constant 0 : i32
      %cond3A_104 = arith.cmpi ne, %convert_element_type3A, %cond3A : i32
      scf.if %cond3A_104 {
        %dma_wait3A_507 = arith.constant 0 : i32
        %dma_wait3A_508 = arith.constant 0 : i32
        %dma_wait3A_509 = arith.constant 0 : i32
        %dma_wait3A_510 = tpu.memref_slice %arg6[%dma_wait3A_507, %dma_wait3A_508, %dma_wait3A_509] : memref<2x512x64xf32, #tpu.memory_space<vmem>> -> memref<1x512x64xf32, #tpu.memory_space<vmem>>
        %dma_wait3A_511 = tpu.memref_squeeze %dma_wait3A_510 : memref<1x512x64xf32, #tpu.memory_space<vmem>> -> memref<512x64xf32, #tpu.memory_space<vmem>>
        %dma_wait3A_512 = arith.constant 0 : i32
        %dma_wait3A_513 = arith.constant 0 : i32
        %dma_wait3A_514 = tpu.memref_slice %arg4[%dma_wait3A_512, %dma_wait3A_513] : memref<835584x64xf32, #tpu.memory_space<hbm>> -> memref<512x64xf32, #tpu.memory_space<hbm>>
        %dma_wait3A_515 = arith.constant 0 : i32
        %dma_wait3A_516 = arith.constant 0 : i32
        %dma_wait3A_517 = tpu.memref_slice %arg4[%dma_wait3A_515, %dma_wait3A_516] : memref<835584x64xf32, #tpu.memory_space<hbm>> -> memref<512x64xf32, #tpu.memory_space<hbm>>
        %dma_wait3A_518 = arith.constant 0 : i32
        %dma_wait3A_519 = arith.constant 0 : i32
        %dma_wait3A_520 = tpu.memref_slice %arg6[%dma_wait3A_507, %dma_wait3A_518, %dma_wait3A_519] : memref<2x512x64xf32, #tpu.memory_space<vmem>> -> memref<1x512x64xf32, #tpu.memory_space<vmem>>
        %dma_wait3A_521 = tpu.memref_squeeze %dma_wait3A_520 : memref<1x512x64xf32, #tpu.memory_space<vmem>> -> memref<512x64xf32, #tpu.memory_space<vmem>>
        tpu.wait_dma2 semaphore(%arg11 : memref<!tpu.dma_semaphore, #tpu.memory_space<semaphore_mem>>) src(%dma_wait3A_521 : memref<512x64xf32, #tpu.memory_space<vmem>>) dst(%dma_wait3A_517 : memref<512x64xf32, #tpu.memory_space<hbm>>)
      } else {
      }
      %dma_wait3A_105 = arith.constant 0 : i32
      %dma_wait3A_106 = arith.constant 0 : i32
      %dma_wait3A_107 = arith.constant 0 : i32
      %dma_wait3A_108 = tpu.memref_slice %arg5[%dma_wait3A_105, %dma_wait3A_106, %dma_wait3A_107] : memref<2x4x128xi32, #tpu.memory_space<vmem>> -> memref<1x4x128xi32, #tpu.memory_space<vmem>>
      %dma_wait3A_109 = tpu.memref_squeeze %dma_wait3A_108 : memref<1x4x128xi32, #tpu.memory_space<vmem>> -> memref<4x128xi32, #tpu.memory_space<vmem>>
      %dma_wait3A_110 = arith.constant 0 : i32
      %dma_wait3A_111 = arith.constant 0 : i32
      %dma_wait3A_112 = tpu.memref_slice %arg2[%dma_wait3A_110, %dma_wait3A_111] : memref<6528x128xi32, #tpu.memory_space<hbm>> -> memref<4x128xi32, #tpu.memory_space<hbm>>
      %dma_wait3A_113 = arith.constant 0 : i32
      %dma_wait3A_114 = arith.constant 0 : i32
      %dma_wait3A_115 = tpu.memref_slice %arg5[%dma_wait3A_105, %dma_wait3A_113, %dma_wait3A_114] : memref<2x4x128xi32, #tpu.memory_space<vmem>> -> memref<1x4x128xi32, #tpu.memory_space<vmem>>
      %dma_wait3A_116 = tpu.memref_squeeze %dma_wait3A_115 : memref<1x4x128xi32, #tpu.memory_space<vmem>> -> memref<4x128xi32, #tpu.memory_space<vmem>>
      %dma_wait3A_117 = arith.constant 0 : i32
      %dma_wait3A_118 = arith.constant 0 : i32
      %dma_wait3A_119 = tpu.memref_slice %arg2[%dma_wait3A_117, %dma_wait3A_118] : memref<6528x128xi32, #tpu.memory_space<hbm>> -> memref<4x128xi32, #tpu.memory_space<hbm>>
      tpu.wait_dma2 semaphore(%arg7 : memref<!tpu.dma_semaphore, #tpu.memory_space<semaphore_mem>>) src(%dma_wait3A_119 : memref<4x128xi32, #tpu.memory_space<hbm>>) dst(%dma_wait3A_116 : memref<4x128xi32, #tpu.memory_space<vmem>>)
      %dma_start3A_120 = arith.constant 0 : i32
      %dma_start3A_121 = arith.constant 0 : i32
      %dma_start3A_122 = arith.constant 0 : i32
      %dma_start3A_123 = arith.constant 0 : i32
      %dma_start3A_124 = arith.constant 0 : i32
      %dma_start3A_125 = tpu.memref_slice %arg6[%dma_start3A_122, %dma_start3A_123, %dma_start3A_124] : memref<2x512x64xf32, #tpu.memory_space<vmem>> -> memref<1x512x64xf32, #tpu.memory_space<vmem>>
      %dma_start3A_126 = tpu.memref_squeeze %dma_start3A_125 : memref<1x512x64xf32, #tpu.memory_space<vmem>> -> memref<512x64xf32, #tpu.memory_space<vmem>>
      %dma_start3A_127 = arith.constant 0 : i32
      %dma_start3A_128 = arith.constant 0 : i32
      %dma_start3A_129 = tpu.memref_slice %dma_start3A_126[%dma_start3A_127, %dma_start3A_128] : memref<512x64xf32, #tpu.memory_space<vmem>> -> memref<128x64xf32, #tpu.memory_space<vmem>>
      %dma_start3A_130 = arith.constant 0 : i32
      %dma_start3A_131 = arith.constant 0 : i32
      %dma_start3A_132 = tpu.memref_slice %arg5[%dma_start3A_120, %dma_start3A_130, %dma_start3A_131] : memref<2x4x128xi32, #tpu.memory_space<vmem>> -> memref<1x4x128xi32, #tpu.memory_space<vmem>>
      %dma_start3A_133 = tpu.memref_squeeze %dma_start3A_132 : memref<1x4x128xi32, #tpu.memory_space<vmem>> -> memref<4x128xi32, #tpu.memory_space<vmem>>
      %dma_start3A_134 = arith.constant 0 : i32
      %dma_start3A_135 = tpu.memref_slice %dma_start3A_133[%dma_start3A_121, %dma_start3A_134] : memref<4x128xi32, #tpu.memory_space<vmem>> -> memref<1x128xi32, #tpu.memory_space<vmem>>
      %dma_start3A_136 = tpu.memref_squeeze %dma_start3A_135 : memref<1x128xi32, #tpu.memory_space<vmem>> -> memref<128xi32, #tpu.memory_space<vmem>>
      %dma_start3A_137 = arith.constant 0 : i32
      %dma_start3A_138 = arith.constant 0 : i32
      %dma_start3A_139 = tpu.memref_slice %arg3[%dma_start3A_137, %dma_start3A_138] : memref<100000x64xf32, #tpu.memory_space<hbm>> -> memref<100000x64xf32, #tpu.memory_space<hbm>>
      tpu.enqueue_indirect_dma source(%dma_start3A_139 : memref<100000x64xf32, #tpu.memory_space<hbm>>) target(%dma_start3A_129 : memref<128x64xf32, #tpu.memory_space<vmem>>) offsets(%dma_start3A_136 : memref<128xi32, #tpu.memory_space<vmem>>) semaphore(%arg9 : memref<!tpu.dma_semaphore, #tpu.memory_space<semaphore_mem>>)
      %dma_start3A_140 = arith.constant 0 : i32
      %dma_start3A_141 = arith.constant 1 : i32
      %dma_start3A_142 = arith.constant 0 : i32
      %dma_start3A_143 = arith.constant 0 : i32
      %dma_start3A_144 = arith.constant 0 : i32
      %dma_start3A_145 = tpu.memref_slice %arg6[%dma_start3A_142, %dma_start3A_143, %dma_start3A_144] : memref<2x512x64xf32, #tpu.memory_space<vmem>> -> memref<1x512x64xf32, #tpu.memory_space<vmem>>
      %dma_start3A_146 = tpu.memref_squeeze %dma_start3A_145 : memref<1x512x64xf32, #tpu.memory_space<vmem>> -> memref<512x64xf32, #tpu.memory_space<vmem>>
      %dma_start3A_147 = arith.constant 128 : i32
      %dma_start3A_148 = arith.constant 0 : i32
      %dma_start3A_149 = tpu.memref_slice %dma_start3A_146[%dma_start3A_147, %dma_start3A_148] : memref<512x64xf32, #tpu.memory_space<vmem>> -> memref<128x64xf32, #tpu.memory_space<vmem>>
      %dma_start3A_150 = arith.constant 0 : i32
      %dma_start3A_151 = arith.constant 0 : i32
      %dma_start3A_152 = tpu.memref_slice %arg5[%dma_start3A_140, %dma_start3A_150, %dma_start3A_151] : memref<2x4x128xi32, #tpu.memory_space<vmem>> -> memref<1x4x128xi32, #tpu.memory_space<vmem>>
      %dma_start3A_153 = tpu.memref_squeeze %dma_start3A_152 : memref<1x4x128xi32, #tpu.memory_space<vmem>> -> memref<4x128xi32, #tpu.memory_space<vmem>>
      %dma_start3A_154 = arith.constant 0 : i32
      %dma_start3A_155 = tpu.memref_slice %dma_start3A_153[%dma_start3A_141, %dma_start3A_154] : memref<4x128xi32, #tpu.memory_space<vmem>> -> memref<1x128xi32, #tpu.memory_space<vmem>>
      %dma_start3A_156 = tpu.memref_squeeze %dma_start3A_155 : memref<1x128xi32, #tpu.memory_space<vmem>> -> memref<128xi32, #tpu.memory_space<vmem>>
      %dma_start3A_157 = arith.constant 0 : i32
      %dma_start3A_158 = arith.constant 0 : i32
      %dma_start3A_159 = tpu.memref_slice %arg3[%dma_start3A_157, %dma_start3A_158] : memref<100000x64xf32, #tpu.memory_space<hbm>> -> memref<100000x64xf32, #tpu.memory_space<hbm>>
      tpu.enqueue_indirect_dma source(%dma_start3A_159 : memref<100000x64xf32, #tpu.memory_space<hbm>>) target(%dma_start3A_149 : memref<128x64xf32, #tpu.memory_space<vmem>>) offsets(%dma_start3A_156 : memref<128xi32, #tpu.memory_space<vmem>>) semaphore(%arg9 : memref<!tpu.dma_semaphore, #tpu.memory_space<semaphore_mem>>)
      %dma_start3A_160 = arith.constant 0 : i32
      %dma_start3A_161 = arith.constant 2 : i32
      %dma_start3A_162 = arith.constant 0 : i32
      %dma_start3A_163 = arith.constant 0 : i32
      %dma_start3A_164 = arith.constant 0 : i32
      %dma_start3A_165 = tpu.memref_slice %arg6[%dma_start3A_162, %dma_start3A_163, %dma_start3A_164] : memref<2x512x64xf32, #tpu.memory_space<vmem>> -> memref<1x512x64xf32, #tpu.memory_space<vmem>>
      %dma_start3A_166 = tpu.memref_squeeze %dma_start3A_165 : memref<1x512x64xf32, #tpu.memory_space<vmem>> -> memref<512x64xf32, #tpu.memory_space<vmem>>
      %dma_start3A_167 = arith.constant 256 : i32
      %dma_start3A_168 = arith.constant 0 : i32
      %dma_start3A_169 = tpu.memref_slice %dma_start3A_166[%dma_start3A_167, %dma_start3A_168] : memref<512x64xf32, #tpu.memory_space<vmem>> -> memref<128x64xf32, #tpu.memory_space<vmem>>
      %dma_start3A_170 = arith.constant 0 : i32
      %dma_start3A_171 = arith.constant 0 : i32
      %dma_start3A_172 = tpu.memref_slice %arg5[%dma_start3A_160, %dma_start3A_170, %dma_start3A_171] : memref<2x4x128xi32, #tpu.memory_space<vmem>> -> memref<1x4x128xi32, #tpu.memory_space<vmem>>
      %dma_start3A_173 = tpu.memref_squeeze %dma_start3A_172 : memref<1x4x128xi32, #tpu.memory_space<vmem>> -> memref<4x128xi32, #tpu.memory_space<vmem>>
      %dma_start3A_174 = arith.constant 0 : i32
      %dma_start3A_175 = tpu.memref_slice %dma_start3A_173[%dma_start3A_161, %dma_start3A_174] : memref<4x128xi32, #tpu.memory_space<vmem>> -> memref<1x128xi32, #tpu.memory_space<vmem>>
      %dma_start3A_176 = tpu.memref_squeeze %dma_start3A_175 : memref<1x128xi32, #tpu.memory_space<vmem>> -> memref<128xi32, #tpu.memory_space<vmem>>
      %dma_start3A_177 = arith.constant 0 : i32
      %dma_start3A_178 = arith.constant 0 : i32
      %dma_start3A_179 = tpu.memref_slice %arg3[%dma_start3A_177, %dma_start3A_178] : memref<100000x64xf32, #tpu.memory_space<hbm>> -> memref<100000x64xf32, #tpu.memory_space<hbm>>
      tpu.enqueue_indirect_dma source(%dma_start3A_179 : memref<100000x64xf32, #tpu.memory_space<hbm>>) target(%dma_start3A_169 : memref<128x64xf32, #tpu.memory_space<vmem>>) offsets(%dma_start3A_176 : memref<128xi32, #tpu.memory_space<vmem>>) semaphore(%arg9 : memref<!tpu.dma_semaphore, #tpu.memory_space<semaphore_mem>>)
      %dma_start3A_180 = arith.constant 0 : i32
      %dma_start3A_181 = arith.constant 3 : i32
      %dma_start3A_182 = arith.constant 0 : i32
      %dma_start3A_183 = arith.constant 0 : i32
      %dma_start3A_184 = arith.constant 0 : i32
      %dma_start3A_185 = tpu.memref_slice %arg6[%dma_start3A_182, %dma_start3A_183, %dma_start3A_184] : memref<2x512x64xf32, #tpu.memory_space<vmem>> -> memref<1x512x64xf32, #tpu.memory_space<vmem>>
      %dma_start3A_186 = tpu.memref_squeeze %dma_start3A_185 : memref<1x512x64xf32, #tpu.memory_space<vmem>> -> memref<512x64xf32, #tpu.memory_space<vmem>>
      %dma_start3A_187 = arith.constant 384 : i32
      %dma_start3A_188 = arith.constant 0 : i32
      %dma_start3A_189 = tpu.memref_slice %dma_start3A_186[%dma_start3A_187, %dma_start3A_188] : memref<512x64xf32, #tpu.memory_space<vmem>> -> memref<128x64xf32, #tpu.memory_space<vmem>>
      %dma_start3A_190 = arith.constant 0 : i32
      %dma_start3A_191 = arith.constant 0 : i32
      %dma_start3A_192 = tpu.memref_slice %arg5[%dma_start3A_180, %dma_start3A_190, %dma_start3A_191] : memref<2x4x128xi32, #tpu.memory_space<vmem>> -> memref<1x4x128xi32, #tpu.memory_space<vmem>>
      %dma_start3A_193 = tpu.memref_squeeze %dma_start3A_192 : memref<1x4x128xi32, #tpu.memory_space<vmem>> -> memref<4x128xi32, #tpu.memory_space<vmem>>
      %dma_start3A_194 = arith.constant 0 : i32
      %dma_start3A_195 = tpu.memref_slice %dma_start3A_193[%dma_start3A_181, %dma_start3A_194] : memref<4x128xi32, #tpu.memory_space<vmem>> -> memref<1x128xi32, #tpu.memory_space<vmem>>
      %dma_start3A_196 = tpu.memref_squeeze %dma_start3A_195 : memref<1x128xi32, #tpu.memory_space<vmem>> -> memref<128xi32, #tpu.memory_space<vmem>>
      %dma_start3A_197 = arith.constant 0 : i32
      %dma_start3A_198 = arith.constant 0 : i32
      %dma_start3A_199 = tpu.memref_slice %arg3[%dma_start3A_197, %dma_start3A_198] : memref<100000x64xf32, #tpu.memory_space<hbm>> -> memref<100000x64xf32, #tpu.memory_space<hbm>>
      tpu.enqueue_indirect_dma source(%dma_start3A_199 : memref<100000x64xf32, #tpu.memory_space<hbm>>) target(%dma_start3A_189 : memref<128x64xf32, #tpu.memory_space<vmem>>) offsets(%dma_start3A_196 : memref<128xi32, #tpu.memory_space<vmem>>) semaphore(%arg9 : memref<!tpu.dma_semaphore, #tpu.memory_space<semaphore_mem>>)
      %dma_wait3A_200 = arith.constant 0 : i32
      %dma_wait3A_201 = arith.constant 0 : i32
      %dma_wait3A_202 = arith.constant 0 : i32
      %dma_wait3A_203 = arith.constant 0 : i32
      %dma_wait3A_204 = arith.constant 0 : i32
      %dma_wait3A_205 = tpu.memref_slice %arg6[%dma_wait3A_202, %dma_wait3A_203, %dma_wait3A_204] : memref<2x512x64xf32, #tpu.memory_space<vmem>> -> memref<1x512x64xf32, #tpu.memory_space<vmem>>
      %dma_wait3A_206 = tpu.memref_squeeze %dma_wait3A_205 : memref<1x512x64xf32, #tpu.memory_space<vmem>> -> memref<512x64xf32, #tpu.memory_space<vmem>>
      %dma_wait3A_207 = arith.constant 0 : i32
      %dma_wait3A_208 = arith.constant 0 : i32
      %dma_wait3A_209 = tpu.memref_slice %dma_wait3A_206[%dma_wait3A_207, %dma_wait3A_208] : memref<512x64xf32, #tpu.memory_space<vmem>> -> memref<128x64xf32, #tpu.memory_space<vmem>>
      %dma_wait3A_210 = arith.constant 0 : i32
      %dma_wait3A_211 = arith.constant 0 : i32
      %dma_wait3A_212 = tpu.memref_slice %arg5[%dma_wait3A_200, %dma_wait3A_210, %dma_wait3A_211] : memref<2x4x128xi32, #tpu.memory_space<vmem>> -> memref<1x4x128xi32, #tpu.memory_space<vmem>>
      %dma_wait3A_213 = tpu.memref_squeeze %dma_wait3A_212 : memref<1x4x128xi32, #tpu.memory_space<vmem>> -> memref<4x128xi32, #tpu.memory_space<vmem>>
      %dma_wait3A_214 = arith.constant 0 : i32
      %dma_wait3A_215 = tpu.memref_slice %dma_wait3A_213[%dma_wait3A_201, %dma_wait3A_214] : memref<4x128xi32, #tpu.memory_space<vmem>> -> memref<1x128xi32, #tpu.memory_space<vmem>>
      %dma_wait3A_216 = tpu.memref_squeeze %dma_wait3A_215 : memref<1x128xi32, #tpu.memory_space<vmem>> -> memref<128xi32, #tpu.memory_space<vmem>>
      %dma_wait3A_217 = arith.constant 0 : i32
      %dma_wait3A_218 = arith.constant 0 : i32
      %dma_wait3A_219 = tpu.memref_slice %arg3[%dma_wait3A_217, %dma_wait3A_218] : memref<100000x64xf32, #tpu.memory_space<hbm>> -> memref<100000x64xf32, #tpu.memory_space<hbm>>
      tpu.wait_indirect_dma semaphore(%arg9 : memref<!tpu.dma_semaphore, #tpu.memory_space<semaphore_mem>>) src(%dma_wait3A_219 : memref<100000x64xf32, #tpu.memory_space<hbm>>) dst(%dma_wait3A_209 : memref<128x64xf32, #tpu.memory_space<vmem>>)
      %dma_wait3A_220 = arith.constant 0 : i32
      %dma_wait3A_221 = arith.constant 1 : i32
      %dma_wait3A_222 = arith.constant 0 : i32
      %dma_wait3A_223 = arith.constant 0 : i32
      %dma_wait3A_224 = arith.constant 0 : i32
      %dma_wait3A_225 = tpu.memref_slice %arg6[%dma_wait3A_222, %dma_wait3A_223, %dma_wait3A_224] : memref<2x512x64xf32, #tpu.memory_space<vmem>> -> memref<1x512x64xf32, #tpu.memory_space<vmem>>
      %dma_wait3A_226 = tpu.memref_squeeze %dma_wait3A_225 : memref<1x512x64xf32, #tpu.memory_space<vmem>> -> memref<512x64xf32, #tpu.memory_space<vmem>>
      %dma_wait3A_227 = arith.constant 128 : i32
      %dma_wait3A_228 = arith.constant 0 : i32
      %dma_wait3A_229 = tpu.memref_slice %dma_wait3A_226[%dma_wait3A_227, %dma_wait3A_228] : memref<512x64xf32, #tpu.memory_space<vmem>> -> memref<128x64xf32, #tpu.memory_space<vmem>>
      %dma_wait3A_230 = arith.constant 0 : i32
      %dma_wait3A_231 = arith.constant 0 : i32
      %dma_wait3A_232 = tpu.memref_slice %arg5[%dma_wait3A_220, %dma_wait3A_230, %dma_wait3A_231] : memref<2x4x128xi32, #tpu.memory_space<vmem>> -> memref<1x4x128xi32, #tpu.memory_space<vmem>>
      %dma_wait3A_233 = tpu.memref_squeeze %dma_wait3A_232 : memref<1x4x128xi32, #tpu.memory_space<vmem>> -> memref<4x128xi32, #tpu.memory_space<vmem>>
      %dma_wait3A_234 = arith.constant 0 : i32
      %dma_wait3A_235 = tpu.memref_slice %dma_wait3A_233[%dma_wait3A_221, %dma_wait3A_234] : memref<4x128xi32, #tpu.memory_space<vmem>> -> memref<1x128xi32, #tpu.memory_space<vmem>>
      %dma_wait3A_236 = tpu.memref_squeeze %dma_wait3A_235 : memref<1x128xi32, #tpu.memory_space<vmem>> -> memref<128xi32, #tpu.memory_space<vmem>>
      %dma_wait3A_237 = arith.constant 0 : i32
      %dma_wait3A_238 = arith.constant 0 : i32
      %dma_wait3A_239 = tpu.memref_slice %arg3[%dma_wait3A_237, %dma_wait3A_238] : memref<100000x64xf32, #tpu.memory_space<hbm>> -> memref<100000x64xf32, #tpu.memory_space<hbm>>
      tpu.wait_indirect_dma semaphore(%arg9 : memref<!tpu.dma_semaphore, #tpu.memory_space<semaphore_mem>>) src(%dma_wait3A_239 : memref<100000x64xf32, #tpu.memory_space<hbm>>) dst(%dma_wait3A_229 : memref<128x64xf32, #tpu.memory_space<vmem>>)
      %dma_wait3A_240 = arith.constant 0 : i32
      %dma_wait3A_241 = arith.constant 2 : i32
      %dma_wait3A_242 = arith.constant 0 : i32
      %dma_wait3A_243 = arith.constant 0 : i32
      %dma_wait3A_244 = arith.constant 0 : i32
      %dma_wait3A_245 = tpu.memref_slice %arg6[%dma_wait3A_242, %dma_wait3A_243, %dma_wait3A_244] : memref<2x512x64xf32, #tpu.memory_space<vmem>> -> memref<1x512x64xf32, #tpu.memory_space<vmem>>
      %dma_wait3A_246 = tpu.memref_squeeze %dma_wait3A_245 : memref<1x512x64xf32, #tpu.memory_space<vmem>> -> memref<512x64xf32, #tpu.memory_space<vmem>>
      %dma_wait3A_247 = arith.constant 256 : i32
      %dma_wait3A_248 = arith.constant 0 : i32
      %dma_wait3A_249 = tpu.memref_slice %dma_wait3A_246[%dma_wait3A_247, %dma_wait3A_248] : memref<512x64xf32, #tpu.memory_space<vmem>> -> memref<128x64xf32, #tpu.memory_space<vmem>>
      %dma_wait3A_250 = arith.constant 0 : i32
      %dma_wait3A_251 = arith.constant 0 : i32
      %dma_wait3A_252 = tpu.memref_slice %arg5[%dma_wait3A_240, %dma_wait3A_250, %dma_wait3A_251] : memref<2x4x128xi32, #tpu.memory_space<vmem>> -> memref<1x4x128xi32, #tpu.memory_space<vmem>>
      %dma_wait3A_253 = tpu.memref_squeeze %dma_wait3A_252 : memref<1x4x128xi32, #tpu.memory_space<vmem>> -> memref<4x128xi32, #tpu.memory_space<vmem>>
      %dma_wait3A_254 = arith.constant 0 : i32
      %dma_wait3A_255 = tpu.memref_slice %dma_wait3A_253[%dma_wait3A_241, %dma_wait3A_254] : memref<4x128xi32, #tpu.memory_space<vmem>> -> memref<1x128xi32, #tpu.memory_space<vmem>>
      %dma_wait3A_256 = tpu.memref_squeeze %dma_wait3A_255 : memref<1x128xi32, #tpu.memory_space<vmem>> -> memref<128xi32, #tpu.memory_space<vmem>>
      %dma_wait3A_257 = arith.constant 0 : i32
      %dma_wait3A_258 = arith.constant 0 : i32
      %dma_wait3A_259 = tpu.memref_slice %arg3[%dma_wait3A_257, %dma_wait3A_258] : memref<100000x64xf32, #tpu.memory_space<hbm>> -> memref<100000x64xf32, #tpu.memory_space<hbm>>
      tpu.wait_indirect_dma semaphore(%arg9 : memref<!tpu.dma_semaphore, #tpu.memory_space<semaphore_mem>>) src(%dma_wait3A_259 : memref<100000x64xf32, #tpu.memory_space<hbm>>) dst(%dma_wait3A_249 : memref<128x64xf32, #tpu.memory_space<vmem>>)
      %dma_wait3A_260 = arith.constant 0 : i32
      %dma_wait3A_261 = arith.constant 3 : i32
      %dma_wait3A_262 = arith.constant 0 : i32
      %dma_wait3A_263 = arith.constant 0 : i32
      %dma_wait3A_264 = arith.constant 0 : i32
      %dma_wait3A_265 = tpu.memref_slice %arg6[%dma_wait3A_262, %dma_wait3A_263, %dma_wait3A_264] : memref<2x512x64xf32, #tpu.memory_space<vmem>> -> memref<1x512x64xf32, #tpu.memory_space<vmem>>
      %dma_wait3A_266 = tpu.memref_squeeze %dma_wait3A_265 : memref<1x512x64xf32, #tpu.memory_space<vmem>> -> memref<512x64xf32, #tpu.memory_space<vmem>>
      %dma_wait3A_267 = arith.constant 384 : i32
      %dma_wait3A_268 = arith.constant 0 : i32
      %dma_wait3A_269 = tpu.memref_slice %dma_wait3A_266[%dma_wait3A_267, %dma_wait3A_268] : memref<512x64xf32, #tpu.memory_space<vmem>> -> memref<128x64xf32, #tpu.memory_space<vmem>>
      %dma_wait3A_270 = arith.constant 0 : i32
      %dma_wait3A_271 = arith.constant 0 : i32
      %dma_wait3A_272 = tpu.memref_slice %arg5[%dma_wait3A_260, %dma_wait3A_270, %dma_wait3A_271] : memref<2x4x128xi32, #tpu.memory_space<vmem>> -> memref<1x4x128xi32, #tpu.memory_space<vmem>>
      %dma_wait3A_273 = tpu.memref_squeeze %dma_wait3A_272 : memref<1x4x128xi32, #tpu.memory_space<vmem>> -> memref<4x128xi32, #tpu.memory_space<vmem>>
      %dma_wait3A_274 = arith.constant 0 : i32
      %dma_wait3A_275 = tpu.memref_slice %dma_wait3A_273[%dma_wait3A_261, %dma_wait3A_274] : memref<4x128xi32, #tpu.memory_space<vmem>> -> memref<1x128xi32, #tpu.memory_space<vmem>>
      %dma_wait3A_276 = tpu.memref_squeeze %dma_wait3A_275 : memref<1x128xi32, #tpu.memory_space<vmem>> -> memref<128xi32, #tpu.memory_space<vmem>>
      %dma_wait3A_277 = arith.constant 0 : i32
      %dma_wait3A_278 = arith.constant 0 : i32
      %dma_wait3A_279 = tpu.memref_slice %arg3[%dma_wait3A_277, %dma_wait3A_278] : memref<100000x64xf32, #tpu.memory_space<hbm>> -> memref<100000x64xf32, #tpu.memory_space<hbm>>
      tpu.wait_indirect_dma semaphore(%arg9 : memref<!tpu.dma_semaphore, #tpu.memory_space<semaphore_mem>>) src(%dma_wait3A_279 : memref<100000x64xf32, #tpu.memory_space<hbm>>) dst(%dma_wait3A_269 : memref<128x64xf32, #tpu.memory_space<vmem>>)
      %add3A_280 = arith.constant 2 : i32
      %add3A_281 = arith.addi %add3A_102, %add3A_280 : i32
      %lt3A = arith.cmpi slt, %add3A_281, %select_n3A_8 : i32
      %convert_element_type3A_282 = arith.extui %lt3A : i1 to i32
      %cond3A_283 = arith.constant 0 : i32
      %cond3A_284 = arith.cmpi ne, %convert_element_type3A_282, %cond3A_283 : i32
      scf.if %cond3A_284 {
        %add3A_507 = arith.constant 2 : i32
        %add3A_508 = arith.addi %add3A_102, %add3A_507 : i32
        %add3A_509 = arith.addi %select_n3A, %add3A_508 : i32
        %mul3A_510 = arith.constant 4 : i32
        %mul3A_511 = arith.muli %add3A_509, %mul3A_510 : i32
        %dma_start3A_512 = arith.constant 0 : i32
        %dma_start3A_513 = arith.constant 0 : i32
        %dma_start3A_514 = arith.constant 0 : i32
        %dma_start3A_515 = tpu.memref_slice %arg5[%dma_start3A_512, %dma_start3A_513, %dma_start3A_514] : memref<2x4x128xi32, #tpu.memory_space<vmem>> -> memref<1x4x128xi32, #tpu.memory_space<vmem>>
        %dma_start3A_516 = tpu.memref_squeeze %dma_start3A_515 : memref<1x4x128xi32, #tpu.memory_space<vmem>> -> memref<4x128xi32, #tpu.memory_space<vmem>>
        %dma_start3A_517 = arith.constant 0 : i32
        %dma_start3A_518 = tpu.memref_slice %arg2[%mul3A_511, %dma_start3A_517] : memref<6528x128xi32, #tpu.memory_space<hbm>> -> memref<4x128xi32, #tpu.memory_space<hbm>>
        %dma_start3A_519 = arith.constant 0 : i32
        %dma_start3A_520 = arith.constant 0 : i32
        %dma_start3A_521 = tpu.memref_slice %arg5[%dma_start3A_512, %dma_start3A_519, %dma_start3A_520] : memref<2x4x128xi32, #tpu.memory_space<vmem>> -> memref<1x4x128xi32, #tpu.memory_space<vmem>>
        %dma_start3A_522 = tpu.memref_squeeze %dma_start3A_521 : memref<1x4x128xi32, #tpu.memory_space<vmem>> -> memref<4x128xi32, #tpu.memory_space<vmem>>
        %dma_start3A_523 = arith.constant 0 : i32
        %dma_start3A_524 = tpu.memref_slice %arg2[%mul3A_511, %dma_start3A_523] : memref<6528x128xi32, #tpu.memory_space<hbm>> -> memref<4x128xi32, #tpu.memory_space<hbm>>
        tpu.enqueue_dma source(%dma_start3A_524 : memref<4x128xi32, #tpu.memory_space<hbm>>) target(%dma_start3A_522 : memref<4x128xi32, #tpu.memory_space<vmem>>) target_semaphore(%arg7 : memref<!tpu.dma_semaphore, #tpu.memory_space<semaphore_mem>>)
      } else {
      }
      %add3A_285 = arith.addi %select_n3A, %add3A_102 : i32
      %mul3A_286 = arith.constant 512 : i32
      %mul3A_287 = arith.muli %add3A_285, %mul3A_286 : i32
      %dma_start3A_288 = arith.constant 0 : i32
      %dma_start3A_289 = arith.constant 0 : i32
      %dma_start3A_290 = arith.constant 0 : i32
      %dma_start3A_291 = tpu.memref_slice %arg6[%dma_start3A_288, %dma_start3A_289, %dma_start3A_290] : memref<2x512x64xf32, #tpu.memory_space<vmem>> -> memref<1x512x64xf32, #tpu.memory_space<vmem>>
      %dma_start3A_292 = tpu.memref_squeeze %dma_start3A_291 : memref<1x512x64xf32, #tpu.memory_space<vmem>> -> memref<512x64xf32, #tpu.memory_space<vmem>>
      %dma_start3A_293 = arith.constant 0 : i32
      %dma_start3A_294 = tpu.memref_slice %arg4[%mul3A_287, %dma_start3A_293] : memref<835584x64xf32, #tpu.memory_space<hbm>> -> memref<512x64xf32, #tpu.memory_space<hbm>>
      %dma_start3A_295 = arith.constant 0 : i32
      %dma_start3A_296 = tpu.memref_slice %arg4[%mul3A_287, %dma_start3A_295] : memref<835584x64xf32, #tpu.memory_space<hbm>> -> memref<512x64xf32, #tpu.memory_space<hbm>>
      %dma_start3A_297 = arith.constant 0 : i32
      %dma_start3A_298 = arith.constant 0 : i32
      %dma_start3A_299 = tpu.memref_slice %arg6[%dma_start3A_288, %dma_start3A_297, %dma_start3A_298] : memref<2x512x64xf32, #tpu.memory_space<vmem>> -> memref<1x512x64xf32, #tpu.memory_space<vmem>>
      %dma_start3A_300 = tpu.memref_squeeze %dma_start3A_299 : memref<1x512x64xf32, #tpu.memory_space<vmem>> -> memref<512x64xf32, #tpu.memory_space<vmem>>
      tpu.enqueue_dma source(%dma_start3A_300 : memref<512x64xf32, #tpu.memory_space<vmem>>) target(%dma_start3A_296 : memref<512x64xf32, #tpu.memory_space<hbm>>) target_semaphore(%arg11 : memref<!tpu.dma_semaphore, #tpu.memory_space<semaphore_mem>>)
      %mul3A_301 = arith.constant 2 : i32
      %mul3A_302 = arith.muli %mul3A_301, %while3A_98 : i32
      %add3A_303 = arith.constant 1 : i32
      %add3A_304 = arith.addi %mul3A_302, %add3A_303 : i32
      %gt3A_305 = arith.constant 0 : i32
      %gt3A_306 = arith.cmpi sgt, %while3A_98, %gt3A_305 : i32
      %convert_element_type3A_307 = arith.extui %gt3A_306 : i1 to i32
      %cond3A_308 = arith.constant 0 : i32
      %cond3A_309 = arith.cmpi ne, %convert_element_type3A_307, %cond3A_308 : i32
      scf.if %cond3A_309 {
        %dma_wait3A_507 = arith.constant 1 : i32
        %dma_wait3A_508 = arith.constant 0 : i32
        %dma_wait3A_509 = arith.constant 0 : i32
        %dma_wait3A_510 = tpu.memref_slice %arg6[%dma_wait3A_507, %dma_wait3A_508, %dma_wait3A_509] : memref<2x512x64xf32, #tpu.memory_space<vmem>> -> memref<1x512x64xf32, #tpu.memory_space<vmem>>
        %dma_wait3A_511 = tpu.memref_squeeze %dma_wait3A_510 : memref<1x512x64xf32, #tpu.memory_space<vmem>> -> memref<512x64xf32, #tpu.memory_space<vmem>>
        %dma_wait3A_512 = arith.constant 0 : i32
        %dma_wait3A_513 = arith.constant 0 : i32
        %dma_wait3A_514 = tpu.memref_slice %arg4[%dma_wait3A_512, %dma_wait3A_513] : memref<835584x64xf32, #tpu.memory_space<hbm>> -> memref<512x64xf32, #tpu.memory_space<hbm>>
        %dma_wait3A_515 = arith.constant 0 : i32
        %dma_wait3A_516 = arith.constant 0 : i32
        %dma_wait3A_517 = tpu.memref_slice %arg4[%dma_wait3A_515, %dma_wait3A_516] : memref<835584x64xf32, #tpu.memory_space<hbm>> -> memref<512x64xf32, #tpu.memory_space<hbm>>
        %dma_wait3A_518 = arith.constant 0 : i32
        %dma_wait3A_519 = arith.constant 0 : i32
        %dma_wait3A_520 = tpu.memref_slice %arg6[%dma_wait3A_507, %dma_wait3A_518, %dma_wait3A_519] : memref<2x512x64xf32, #tpu.memory_space<vmem>> -> memref<1x512x64xf32, #tpu.memory_space<vmem>>
        %dma_wait3A_521 = tpu.memref_squeeze %dma_wait3A_520 : memref<1x512x64xf32, #tpu.memory_space<vmem>> -> memref<512x64xf32, #tpu.memory_space<vmem>>
        tpu.wait_dma2 semaphore(%arg12 : memref<!tpu.dma_semaphore, #tpu.memory_space<semaphore_mem>>) src(%dma_wait3A_521 : memref<512x64xf32, #tpu.memory_space<vmem>>) dst(%dma_wait3A_517 : memref<512x64xf32, #tpu.memory_space<hbm>>)
      } else {
      }
      %dma_wait3A_310 = arith.constant 1 : i32
      %dma_wait3A_311 = arith.constant 0 : i32
      %dma_wait3A_312 = arith.constant 0 : i32
      %dma_wait3A_313 = tpu.memref_slice %arg5[%dma_wait3A_310, %dma_wait3A_311, %dma_wait3A_312] : memref<2x4x128xi32, #tpu.memory_space<vmem>> -> memref<1x4x128xi32, #tpu.memory_space<vmem>>
      %dma_wait3A_314 = tpu.memref_squeeze %dma_wait3A_313 : memref<1x4x128xi32, #tpu.memory_space<vmem>> -> memref<4x128xi32, #tpu.memory_space<vmem>>
      %dma_wait3A_315 = arith.constant 0 : i32
      %dma_wait3A_316 = arith.constant 0 : i32
      %dma_wait3A_317 = tpu.memref_slice %arg2[%dma_wait3A_315, %dma_wait3A_316] : memref<6528x128xi32, #tpu.memory_space<hbm>> -> memref<4x128xi32, #tpu.memory_space<hbm>>
      %dma_wait3A_318 = arith.constant 0 : i32
      %dma_wait3A_319 = arith.constant 0 : i32
      %dma_wait3A_320 = tpu.memref_slice %arg5[%dma_wait3A_310, %dma_wait3A_318, %dma_wait3A_319] : memref<2x4x128xi32, #tpu.memory_space<vmem>> -> memref<1x4x128xi32, #tpu.memory_space<vmem>>
      %dma_wait3A_321 = tpu.memref_squeeze %dma_wait3A_320 : memref<1x4x128xi32, #tpu.memory_space<vmem>> -> memref<4x128xi32, #tpu.memory_space<vmem>>
      %dma_wait3A_322 = arith.constant 0 : i32
      %dma_wait3A_323 = arith.constant 0 : i32
      %dma_wait3A_324 = tpu.memref_slice %arg2[%dma_wait3A_322, %dma_wait3A_323] : memref<6528x128xi32, #tpu.memory_space<hbm>> -> memref<4x128xi32, #tpu.memory_space<hbm>>
      tpu.wait_dma2 semaphore(%arg8 : memref<!tpu.dma_semaphore, #tpu.memory_space<semaphore_mem>>) src(%dma_wait3A_324 : memref<4x128xi32, #tpu.memory_space<hbm>>) dst(%dma_wait3A_321 : memref<4x128xi32, #tpu.memory_space<vmem>>)
      %dma_start3A_325 = arith.constant 1 : i32
      %dma_start3A_326 = arith.constant 0 : i32
      %dma_start3A_327 = arith.constant 1 : i32
      %dma_start3A_328 = arith.constant 0 : i32
      %dma_start3A_329 = arith.constant 0 : i32
      %dma_start3A_330 = tpu.memref_slice %arg6[%dma_start3A_327, %dma_start3A_328, %dma_start3A_329] : memref<2x512x64xf32, #tpu.memory_space<vmem>> -> memref<1x512x64xf32, #tpu.memory_space<vmem>>
      %dma_start3A_331 = tpu.memref_squeeze %dma_start3A_330 : memref<1x512x64xf32, #tpu.memory_space<vmem>> -> memref<512x64xf32, #tpu.memory_space<vmem>>
      %dma_start3A_332 = arith.constant 0 : i32
      %dma_start3A_333 = arith.constant 0 : i32
      %dma_start3A_334 = tpu.memref_slice %dma_start3A_331[%dma_start3A_332, %dma_start3A_333] : memref<512x64xf32, #tpu.memory_space<vmem>> -> memref<128x64xf32, #tpu.memory_space<vmem>>
      %dma_start3A_335 = arith.constant 0 : i32
      %dma_start3A_336 = arith.constant 0 : i32
      %dma_start3A_337 = tpu.memref_slice %arg5[%dma_start3A_325, %dma_start3A_335, %dma_start3A_336] : memref<2x4x128xi32, #tpu.memory_space<vmem>> -> memref<1x4x128xi32, #tpu.memory_space<vmem>>
      %dma_start3A_338 = tpu.memref_squeeze %dma_start3A_337 : memref<1x4x128xi32, #tpu.memory_space<vmem>> -> memref<4x128xi32, #tpu.memory_space<vmem>>
      %dma_start3A_339 = arith.constant 0 : i32
      %dma_start3A_340 = tpu.memref_slice %dma_start3A_338[%dma_start3A_326, %dma_start3A_339] : memref<4x128xi32, #tpu.memory_space<vmem>> -> memref<1x128xi32, #tpu.memory_space<vmem>>
      %dma_start3A_341 = tpu.memref_squeeze %dma_start3A_340 : memref<1x128xi32, #tpu.memory_space<vmem>> -> memref<128xi32, #tpu.memory_space<vmem>>
      %dma_start3A_342 = arith.constant 0 : i32
      %dma_start3A_343 = arith.constant 0 : i32
      %dma_start3A_344 = tpu.memref_slice %arg3[%dma_start3A_342, %dma_start3A_343] : memref<100000x64xf32, #tpu.memory_space<hbm>> -> memref<100000x64xf32, #tpu.memory_space<hbm>>
      tpu.enqueue_indirect_dma source(%dma_start3A_344 : memref<100000x64xf32, #tpu.memory_space<hbm>>) target(%dma_start3A_334 : memref<128x64xf32, #tpu.memory_space<vmem>>) offsets(%dma_start3A_341 : memref<128xi32, #tpu.memory_space<vmem>>) semaphore(%arg10 : memref<!tpu.dma_semaphore, #tpu.memory_space<semaphore_mem>>)
      %dma_start3A_345 = arith.constant 1 : i32
      %dma_start3A_346 = arith.constant 1 : i32
      %dma_start3A_347 = arith.constant 1 : i32
      %dma_start3A_348 = arith.constant 0 : i32
      %dma_start3A_349 = arith.constant 0 : i32
      %dma_start3A_350 = tpu.memref_slice %arg6[%dma_start3A_347, %dma_start3A_348, %dma_start3A_349] : memref<2x512x64xf32, #tpu.memory_space<vmem>> -> memref<1x512x64xf32, #tpu.memory_space<vmem>>
      %dma_start3A_351 = tpu.memref_squeeze %dma_start3A_350 : memref<1x512x64xf32, #tpu.memory_space<vmem>> -> memref<512x64xf32, #tpu.memory_space<vmem>>
      %dma_start3A_352 = arith.constant 128 : i32
      %dma_start3A_353 = arith.constant 0 : i32
      %dma_start3A_354 = tpu.memref_slice %dma_start3A_351[%dma_start3A_352, %dma_start3A_353] : memref<512x64xf32, #tpu.memory_space<vmem>> -> memref<128x64xf32, #tpu.memory_space<vmem>>
      %dma_start3A_355 = arith.constant 0 : i32
      %dma_start3A_356 = arith.constant 0 : i32
      %dma_start3A_357 = tpu.memref_slice %arg5[%dma_start3A_345, %dma_start3A_355, %dma_start3A_356] : memref<2x4x128xi32, #tpu.memory_space<vmem>> -> memref<1x4x128xi32, #tpu.memory_space<vmem>>
      %dma_start3A_358 = tpu.memref_squeeze %dma_start3A_357 : memref<1x4x128xi32, #tpu.memory_space<vmem>> -> memref<4x128xi32, #tpu.memory_space<vmem>>
      %dma_start3A_359 = arith.constant 0 : i32
      %dma_start3A_360 = tpu.memref_slice %dma_start3A_358[%dma_start3A_346, %dma_start3A_359] : memref<4x128xi32, #tpu.memory_space<vmem>> -> memref<1x128xi32, #tpu.memory_space<vmem>>
      %dma_start3A_361 = tpu.memref_squeeze %dma_start3A_360 : memref<1x128xi32, #tpu.memory_space<vmem>> -> memref<128xi32, #tpu.memory_space<vmem>>
      %dma_start3A_362 = arith.constant 0 : i32
      %dma_start3A_363 = arith.constant 0 : i32
      %dma_start3A_364 = tpu.memref_slice %arg3[%dma_start3A_362, %dma_start3A_363] : memref<100000x64xf32, #tpu.memory_space<hbm>> -> memref<100000x64xf32, #tpu.memory_space<hbm>>
      tpu.enqueue_indirect_dma source(%dma_start3A_364 : memref<100000x64xf32, #tpu.memory_space<hbm>>) target(%dma_start3A_354 : memref<128x64xf32, #tpu.memory_space<vmem>>) offsets(%dma_start3A_361 : memref<128xi32, #tpu.memory_space<vmem>>) semaphore(%arg10 : memref<!tpu.dma_semaphore, #tpu.memory_space<semaphore_mem>>)
      %dma_start3A_365 = arith.constant 1 : i32
      %dma_start3A_366 = arith.constant 2 : i32
      %dma_start3A_367 = arith.constant 1 : i32
      %dma_start3A_368 = arith.constant 0 : i32
      %dma_start3A_369 = arith.constant 0 : i32
      %dma_start3A_370 = tpu.memref_slice %arg6[%dma_start3A_367, %dma_start3A_368, %dma_start3A_369] : memref<2x512x64xf32, #tpu.memory_space<vmem>> -> memref<1x512x64xf32, #tpu.memory_space<vmem>>
      %dma_start3A_371 = tpu.memref_squeeze %dma_start3A_370 : memref<1x512x64xf32, #tpu.memory_space<vmem>> -> memref<512x64xf32, #tpu.memory_space<vmem>>
      %dma_start3A_372 = arith.constant 256 : i32
      %dma_start3A_373 = arith.constant 0 : i32
      %dma_start3A_374 = tpu.memref_slice %dma_start3A_371[%dma_start3A_372, %dma_start3A_373] : memref<512x64xf32, #tpu.memory_space<vmem>> -> memref<128x64xf32, #tpu.memory_space<vmem>>
      %dma_start3A_375 = arith.constant 0 : i32
      %dma_start3A_376 = arith.constant 0 : i32
      %dma_start3A_377 = tpu.memref_slice %arg5[%dma_start3A_365, %dma_start3A_375, %dma_start3A_376] : memref<2x4x128xi32, #tpu.memory_space<vmem>> -> memref<1x4x128xi32, #tpu.memory_space<vmem>>
      %dma_start3A_378 = tpu.memref_squeeze %dma_start3A_377 : memref<1x4x128xi32, #tpu.memory_space<vmem>> -> memref<4x128xi32, #tpu.memory_space<vmem>>
      %dma_start3A_379 = arith.constant 0 : i32
      %dma_start3A_380 = tpu.memref_slice %dma_start3A_378[%dma_start3A_366, %dma_start3A_379] : memref<4x128xi32, #tpu.memory_space<vmem>> -> memref<1x128xi32, #tpu.memory_space<vmem>>
      %dma_start3A_381 = tpu.memref_squeeze %dma_start3A_380 : memref<1x128xi32, #tpu.memory_space<vmem>> -> memref<128xi32, #tpu.memory_space<vmem>>
      %dma_start3A_382 = arith.constant 0 : i32
      %dma_start3A_383 = arith.constant 0 : i32
      %dma_start3A_384 = tpu.memref_slice %arg3[%dma_start3A_382, %dma_start3A_383] : memref<100000x64xf32, #tpu.memory_space<hbm>> -> memref<100000x64xf32, #tpu.memory_space<hbm>>
      tpu.enqueue_indirect_dma source(%dma_start3A_384 : memref<100000x64xf32, #tpu.memory_space<hbm>>) target(%dma_start3A_374 : memref<128x64xf32, #tpu.memory_space<vmem>>) offsets(%dma_start3A_381 : memref<128xi32, #tpu.memory_space<vmem>>) semaphore(%arg10 : memref<!tpu.dma_semaphore, #tpu.memory_space<semaphore_mem>>)
      %dma_start3A_385 = arith.constant 1 : i32
      %dma_start3A_386 = arith.constant 3 : i32
      %dma_start3A_387 = arith.constant 1 : i32
      %dma_start3A_388 = arith.constant 0 : i32
      %dma_start3A_389 = arith.constant 0 : i32
      %dma_start3A_390 = tpu.memref_slice %arg6[%dma_start3A_387, %dma_start3A_388, %dma_start3A_389] : memref<2x512x64xf32, #tpu.memory_space<vmem>> -> memref<1x512x64xf32, #tpu.memory_space<vmem>>
      %dma_start3A_391 = tpu.memref_squeeze %dma_start3A_390 : memref<1x512x64xf32, #tpu.memory_space<vmem>> -> memref<512x64xf32, #tpu.memory_space<vmem>>
      %dma_start3A_392 = arith.constant 384 : i32
      %dma_start3A_393 = arith.constant 0 : i32
      %dma_start3A_394 = tpu.memref_slice %dma_start3A_391[%dma_start3A_392, %dma_start3A_393] : memref<512x64xf32, #tpu.memory_space<vmem>> -> memref<128x64xf32, #tpu.memory_space<vmem>>
      %dma_start3A_395 = arith.constant 0 : i32
      %dma_start3A_396 = arith.constant 0 : i32
      %dma_start3A_397 = tpu.memref_slice %arg5[%dma_start3A_385, %dma_start3A_395, %dma_start3A_396] : memref<2x4x128xi32, #tpu.memory_space<vmem>> -> memref<1x4x128xi32, #tpu.memory_space<vmem>>
      %dma_start3A_398 = tpu.memref_squeeze %dma_start3A_397 : memref<1x4x128xi32, #tpu.memory_space<vmem>> -> memref<4x128xi32, #tpu.memory_space<vmem>>
      %dma_start3A_399 = arith.constant 0 : i32
      %dma_start3A_400 = tpu.memref_slice %dma_start3A_398[%dma_start3A_386, %dma_start3A_399] : memref<4x128xi32, #tpu.memory_space<vmem>> -> memref<1x128xi32, #tpu.memory_space<vmem>>
      %dma_start3A_401 = tpu.memref_squeeze %dma_start3A_400 : memref<1x128xi32, #tpu.memory_space<vmem>> -> memref<128xi32, #tpu.memory_space<vmem>>
      %dma_start3A_402 = arith.constant 0 : i32
      %dma_start3A_403 = arith.constant 0 : i32
      %dma_start3A_404 = tpu.memref_slice %arg3[%dma_start3A_402, %dma_start3A_403] : memref<100000x64xf32, #tpu.memory_space<hbm>> -> memref<100000x64xf32, #tpu.memory_space<hbm>>
      tpu.enqueue_indirect_dma source(%dma_start3A_404 : memref<100000x64xf32, #tpu.memory_space<hbm>>) target(%dma_start3A_394 : memref<128x64xf32, #tpu.memory_space<vmem>>) offsets(%dma_start3A_401 : memref<128xi32, #tpu.memory_space<vmem>>) semaphore(%arg10 : memref<!tpu.dma_semaphore, #tpu.memory_space<semaphore_mem>>)
      %dma_wait3A_405 = arith.constant 1 : i32
      %dma_wait3A_406 = arith.constant 0 : i32
      %dma_wait3A_407 = arith.constant 1 : i32
      %dma_wait3A_408 = arith.constant 0 : i32
      %dma_wait3A_409 = arith.constant 0 : i32
      %dma_wait3A_410 = tpu.memref_slice %arg6[%dma_wait3A_407, %dma_wait3A_408, %dma_wait3A_409] : memref<2x512x64xf32, #tpu.memory_space<vmem>> -> memref<1x512x64xf32, #tpu.memory_space<vmem>>
      %dma_wait3A_411 = tpu.memref_squeeze %dma_wait3A_410 : memref<1x512x64xf32, #tpu.memory_space<vmem>> -> memref<512x64xf32, #tpu.memory_space<vmem>>
      %dma_wait3A_412 = arith.constant 0 : i32
      %dma_wait3A_413 = arith.constant 0 : i32
      %dma_wait3A_414 = tpu.memref_slice %dma_wait3A_411[%dma_wait3A_412, %dma_wait3A_413] : memref<512x64xf32, #tpu.memory_space<vmem>> -> memref<128x64xf32, #tpu.memory_space<vmem>>
      %dma_wait3A_415 = arith.constant 0 : i32
      %dma_wait3A_416 = arith.constant 0 : i32
      %dma_wait3A_417 = tpu.memref_slice %arg5[%dma_wait3A_405, %dma_wait3A_415, %dma_wait3A_416] : memref<2x4x128xi32, #tpu.memory_space<vmem>> -> memref<1x4x128xi32, #tpu.memory_space<vmem>>
      %dma_wait3A_418 = tpu.memref_squeeze %dma_wait3A_417 : memref<1x4x128xi32, #tpu.memory_space<vmem>> -> memref<4x128xi32, #tpu.memory_space<vmem>>
      %dma_wait3A_419 = arith.constant 0 : i32
      %dma_wait3A_420 = tpu.memref_slice %dma_wait3A_418[%dma_wait3A_406, %dma_wait3A_419] : memref<4x128xi32, #tpu.memory_space<vmem>> -> memref<1x128xi32, #tpu.memory_space<vmem>>
      %dma_wait3A_421 = tpu.memref_squeeze %dma_wait3A_420 : memref<1x128xi32, #tpu.memory_space<vmem>> -> memref<128xi32, #tpu.memory_space<vmem>>
      %dma_wait3A_422 = arith.constant 0 : i32
      %dma_wait3A_423 = arith.constant 0 : i32
      %dma_wait3A_424 = tpu.memref_slice %arg3[%dma_wait3A_422, %dma_wait3A_423] : memref<100000x64xf32, #tpu.memory_space<hbm>> -> memref<100000x64xf32, #tpu.memory_space<hbm>>
      tpu.wait_indirect_dma semaphore(%arg10 : memref<!tpu.dma_semaphore, #tpu.memory_space<semaphore_mem>>) src(%dma_wait3A_424 : memref<100000x64xf32, #tpu.memory_space<hbm>>) dst(%dma_wait3A_414 : memref<128x64xf32, #tpu.memory_space<vmem>>)
      %dma_wait3A_425 = arith.constant 1 : i32
      %dma_wait3A_426 = arith.constant 1 : i32
      %dma_wait3A_427 = arith.constant 1 : i32
      %dma_wait3A_428 = arith.constant 0 : i32
      %dma_wait3A_429 = arith.constant 0 : i32
      %dma_wait3A_430 = tpu.memref_slice %arg6[%dma_wait3A_427, %dma_wait3A_428, %dma_wait3A_429] : memref<2x512x64xf32, #tpu.memory_space<vmem>> -> memref<1x512x64xf32, #tpu.memory_space<vmem>>
      %dma_wait3A_431 = tpu.memref_squeeze %dma_wait3A_430 : memref<1x512x64xf32, #tpu.memory_space<vmem>> -> memref<512x64xf32, #tpu.memory_space<vmem>>
      %dma_wait3A_432 = arith.constant 128 : i32
      %dma_wait3A_433 = arith.constant 0 : i32
      %dma_wait3A_434 = tpu.memref_slice %dma_wait3A_431[%dma_wait3A_432, %dma_wait3A_433] : memref<512x64xf32, #tpu.memory_space<vmem>> -> memref<128x64xf32, #tpu.memory_space<vmem>>
      %dma_wait3A_435 = arith.constant 0 : i32
      %dma_wait3A_436 = arith.constant 0 : i32
      %dma_wait3A_437 = tpu.memref_slice %arg5[%dma_wait3A_425, %dma_wait3A_435, %dma_wait3A_436] : memref<2x4x128xi32, #tpu.memory_space<vmem>> -> memref<1x4x128xi32, #tpu.memory_space<vmem>>
      %dma_wait3A_438 = tpu.memref_squeeze %dma_wait3A_437 : memref<1x4x128xi32, #tpu.memory_space<vmem>> -> memref<4x128xi32, #tpu.memory_space<vmem>>
      %dma_wait3A_439 = arith.constant 0 : i32
      %dma_wait3A_440 = tpu.memref_slice %dma_wait3A_438[%dma_wait3A_426, %dma_wait3A_439] : memref<4x128xi32, #tpu.memory_space<vmem>> -> memref<1x128xi32, #tpu.memory_space<vmem>>
      %dma_wait3A_441 = tpu.memref_squeeze %dma_wait3A_440 : memref<1x128xi32, #tpu.memory_space<vmem>> -> memref<128xi32, #tpu.memory_space<vmem>>
      %dma_wait3A_442 = arith.constant 0 : i32
      %dma_wait3A_443 = arith.constant 0 : i32
      %dma_wait3A_444 = tpu.memref_slice %arg3[%dma_wait3A_442, %dma_wait3A_443] : memref<100000x64xf32, #tpu.memory_space<hbm>> -> memref<100000x64xf32, #tpu.memory_space<hbm>>
      tpu.wait_indirect_dma semaphore(%arg10 : memref<!tpu.dma_semaphore, #tpu.memory_space<semaphore_mem>>) src(%dma_wait3A_444 : memref<100000x64xf32, #tpu.memory_space<hbm>>) dst(%dma_wait3A_434 : memref<128x64xf32, #tpu.memory_space<vmem>>)
      %dma_wait3A_445 = arith.constant 1 : i32
      %dma_wait3A_446 = arith.constant 2 : i32
      %dma_wait3A_447 = arith.constant 1 : i32
      %dma_wait3A_448 = arith.constant 0 : i32
      %dma_wait3A_449 = arith.constant 0 : i32
      %dma_wait3A_450 = tpu.memref_slice %arg6[%dma_wait3A_447, %dma_wait3A_448, %dma_wait3A_449] : memref<2x512x64xf32, #tpu.memory_space<vmem>> -> memref<1x512x64xf32, #tpu.memory_space<vmem>>
      %dma_wait3A_451 = tpu.memref_squeeze %dma_wait3A_450 : memref<1x512x64xf32, #tpu.memory_space<vmem>> -> memref<512x64xf32, #tpu.memory_space<vmem>>
      %dma_wait3A_452 = arith.constant 256 : i32
      %dma_wait3A_453 = arith.constant 0 : i32
      %dma_wait3A_454 = tpu.memref_slice %dma_wait3A_451[%dma_wait3A_452, %dma_wait3A_453] : memref<512x64xf32, #tpu.memory_space<vmem>> -> memref<128x64xf32, #tpu.memory_space<vmem>>
      %dma_wait3A_455 = arith.constant 0 : i32
      %dma_wait3A_456 = arith.constant 0 : i32
      %dma_wait3A_457 = tpu.memref_slice %arg5[%dma_wait3A_445, %dma_wait3A_455, %dma_wait3A_456] : memref<2x4x128xi32, #tpu.memory_space<vmem>> -> memref<1x4x128xi32, #tpu.memory_space<vmem>>
      %dma_wait3A_458 = tpu.memref_squeeze %dma_wait3A_457 : memref<1x4x128xi32, #tpu.memory_space<vmem>> -> memref<4x128xi32, #tpu.memory_space<vmem>>
      %dma_wait3A_459 = arith.constant 0 : i32
      %dma_wait3A_460 = tpu.memref_slice %dma_wait3A_458[%dma_wait3A_446, %dma_wait3A_459] : memref<4x128xi32, #tpu.memory_space<vmem>> -> memref<1x128xi32, #tpu.memory_space<vmem>>
      %dma_wait3A_461 = tpu.memref_squeeze %dma_wait3A_460 : memref<1x128xi32, #tpu.memory_space<vmem>> -> memref<128xi32, #tpu.memory_space<vmem>>
      %dma_wait3A_462 = arith.constant 0 : i32
      %dma_wait3A_463 = arith.constant 0 : i32
      %dma_wait3A_464 = tpu.memref_slice %arg3[%dma_wait3A_462, %dma_wait3A_463] : memref<100000x64xf32, #tpu.memory_space<hbm>> -> memref<100000x64xf32, #tpu.memory_space<hbm>>
      tpu.wait_indirect_dma semaphore(%arg10 : memref<!tpu.dma_semaphore, #tpu.memory_space<semaphore_mem>>) src(%dma_wait3A_464 : memref<100000x64xf32, #tpu.memory_space<hbm>>) dst(%dma_wait3A_454 : memref<128x64xf32, #tpu.memory_space<vmem>>)
      %dma_wait3A_465 = arith.constant 1 : i32
      %dma_wait3A_466 = arith.constant 3 : i32
      %dma_wait3A_467 = arith.constant 1 : i32
      %dma_wait3A_468 = arith.constant 0 : i32
      %dma_wait3A_469 = arith.constant 0 : i32
      %dma_wait3A_470 = tpu.memref_slice %arg6[%dma_wait3A_467, %dma_wait3A_468, %dma_wait3A_469] : memref<2x512x64xf32, #tpu.memory_space<vmem>> -> memref<1x512x64xf32, #tpu.memory_space<vmem>>
      %dma_wait3A_471 = tpu.memref_squeeze %dma_wait3A_470 : memref<1x512x64xf32, #tpu.memory_space<vmem>> -> memref<512x64xf32, #tpu.memory_space<vmem>>
      %dma_wait3A_472 = arith.constant 384 : i32
      %dma_wait3A_473 = arith.constant 0 : i32
      %dma_wait3A_474 = tpu.memref_slice %dma_wait3A_471[%dma_wait3A_472, %dma_wait3A_473] : memref<512x64xf32, #tpu.memory_space<vmem>> -> memref<128x64xf32, #tpu.memory_space<vmem>>
      %dma_wait3A_475 = arith.constant 0 : i32
      %dma_wait3A_476 = arith.constant 0 : i32
      %dma_wait3A_477 = tpu.memref_slice %arg5[%dma_wait3A_465, %dma_wait3A_475, %dma_wait3A_476] : memref<2x4x128xi32, #tpu.memory_space<vmem>> -> memref<1x4x128xi32, #tpu.memory_space<vmem>>
      %dma_wait3A_478 = tpu.memref_squeeze %dma_wait3A_477 : memref<1x4x128xi32, #tpu.memory_space<vmem>> -> memref<4x128xi32, #tpu.memory_space<vmem>>
      %dma_wait3A_479 = arith.constant 0 : i32
      %dma_wait3A_480 = tpu.memref_slice %dma_wait3A_478[%dma_wait3A_466, %dma_wait3A_479] : memref<4x128xi32, #tpu.memory_space<vmem>> -> memref<1x128xi32, #tpu.memory_space<vmem>>
      %dma_wait3A_481 = tpu.memref_squeeze %dma_wait3A_480 : memref<1x128xi32, #tpu.memory_space<vmem>> -> memref<128xi32, #tpu.memory_space<vmem>>
      %dma_wait3A_482 = arith.constant 0 : i32
      %dma_wait3A_483 = arith.constant 0 : i32
      %dma_wait3A_484 = tpu.memref_slice %arg3[%dma_wait3A_482, %dma_wait3A_483] : memref<100000x64xf32, #tpu.memory_space<hbm>> -> memref<100000x64xf32, #tpu.memory_space<hbm>>
      tpu.wait_indirect_dma semaphore(%arg10 : memref<!tpu.dma_semaphore, #tpu.memory_space<semaphore_mem>>) src(%dma_wait3A_484 : memref<100000x64xf32, #tpu.memory_space<hbm>>) dst(%dma_wait3A_474 : memref<128x64xf32, #tpu.memory_space<vmem>>)
      %add3A_485 = arith.constant 2 : i32
      %add3A_486 = arith.addi %add3A_304, %add3A_485 : i32
      %lt3A_487 = arith.cmpi slt, %add3A_486, %select_n3A_8 : i32
      %convert_element_type3A_488 = arith.extui %lt3A_487 : i1 to i32
      %cond3A_489 = arith.constant 0 : i32
      %cond3A_490 = arith.cmpi ne, %convert_element_type3A_488, %cond3A_489 : i32
      scf.if %cond3A_490 {
        %add3A_507 = arith.constant 2 : i32
        %add3A_508 = arith.addi %add3A_304, %add3A_507 : i32
        %add3A_509 = arith.addi %select_n3A, %add3A_508 : i32
        %mul3A_510 = arith.constant 4 : i32
        %mul3A_511 = arith.muli %add3A_509, %mul3A_510 : i32
        %dma_start3A_512 = arith.constant 1 : i32
        %dma_start3A_513 = arith.constant 0 : i32
        %dma_start3A_514 = arith.constant 0 : i32
        %dma_start3A_515 = tpu.memref_slice %arg5[%dma_start3A_512, %dma_start3A_513, %dma_start3A_514] : memref<2x4x128xi32, #tpu.memory_space<vmem>> -> memref<1x4x128xi32, #tpu.memory_space<vmem>>
        %dma_start3A_516 = tpu.memref_squeeze %dma_start3A_515 : memref<1x4x128xi32, #tpu.memory_space<vmem>> -> memref<4x128xi32, #tpu.memory_space<vmem>>
        %dma_start3A_517 = arith.constant 0 : i32
        %dma_start3A_518 = tpu.memref_slice %arg2[%mul3A_511, %dma_start3A_517] : memref<6528x128xi32, #tpu.memory_space<hbm>> -> memref<4x128xi32, #tpu.memory_space<hbm>>
        %dma_start3A_519 = arith.constant 0 : i32
        %dma_start3A_520 = arith.constant 0 : i32
        %dma_start3A_521 = tpu.memref_slice %arg5[%dma_start3A_512, %dma_start3A_519, %dma_start3A_520] : memref<2x4x128xi32, #tpu.memory_space<vmem>> -> memref<1x4x128xi32, #tpu.memory_space<vmem>>
        %dma_start3A_522 = tpu.memref_squeeze %dma_start3A_521 : memref<1x4x128xi32, #tpu.memory_space<vmem>> -> memref<4x128xi32, #tpu.memory_space<vmem>>
        %dma_start3A_523 = arith.constant 0 : i32
        %dma_start3A_524 = tpu.memref_slice %arg2[%mul3A_511, %dma_start3A_523] : memref<6528x128xi32, #tpu.memory_space<hbm>> -> memref<4x128xi32, #tpu.memory_space<hbm>>
        tpu.enqueue_dma source(%dma_start3A_524 : memref<4x128xi32, #tpu.memory_space<hbm>>) target(%dma_start3A_522 : memref<4x128xi32, #tpu.memory_space<vmem>>) target_semaphore(%arg8 : memref<!tpu.dma_semaphore, #tpu.memory_space<semaphore_mem>>)
      } else {
      }
      %add3A_491 = arith.addi %select_n3A, %add3A_304 : i32
      %mul3A_492 = arith.constant 512 : i32
      %mul3A_493 = arith.muli %add3A_491, %mul3A_492 : i32
      %dma_start3A_494 = arith.constant 1 : i32
      %dma_start3A_495 = arith.constant 0 : i32
      %dma_start3A_496 = arith.constant 0 : i32
      %dma_start3A_497 = tpu.memref_slice %arg6[%dma_start3A_494, %dma_start3A_495, %dma_start3A_496] : memref<2x512x64xf32, #tpu.memory_space<vmem>> -> memref<1x512x64xf32, #tpu.memory_space<vmem>>
      %dma_start3A_498 = tpu.memref_squeeze %dma_start3A_497 : memref<1x512x64xf32, #tpu.memory_space<vmem>> -> memref<512x64xf32, #tpu.memory_space<vmem>>
      %dma_start3A_499 = arith.constant 0 : i32
      %dma_start3A_500 = tpu.memref_slice %arg4[%mul3A_493, %dma_start3A_499] : memref<835584x64xf32, #tpu.memory_space<hbm>> -> memref<512x64xf32, #tpu.memory_space<hbm>>
      %dma_start3A_501 = arith.constant 0 : i32
      %dma_start3A_502 = tpu.memref_slice %arg4[%mul3A_493, %dma_start3A_501] : memref<835584x64xf32, #tpu.memory_space<hbm>> -> memref<512x64xf32, #tpu.memory_space<hbm>>
      %dma_start3A_503 = arith.constant 0 : i32
      %dma_start3A_504 = arith.constant 0 : i32
      %dma_start3A_505 = tpu.memref_slice %arg6[%dma_start3A_494, %dma_start3A_503, %dma_start3A_504] : memref<2x512x64xf32, #tpu.memory_space<vmem>> -> memref<1x512x64xf32, #tpu.memory_space<vmem>>
      %dma_start3A_506 = tpu.memref_squeeze %dma_start3A_505 : memref<1x512x64xf32, #tpu.memory_space<vmem>> -> memref<512x64xf32, #tpu.memory_space<vmem>>
      tpu.enqueue_dma source(%dma_start3A_506 : memref<512x64xf32, #tpu.memory_space<vmem>>) target(%dma_start3A_502 : memref<512x64xf32, #tpu.memory_space<hbm>>) target_semaphore(%arg12 : memref<!tpu.dma_semaphore, #tpu.memory_space<semaphore_mem>>)
    }
    %while3A_68 = arith.constant 1 : i32
    scf.for %while3A_98 = %while3A_66 to %while3A_62 step %while3A_68  : i32 {
      %mul3A_99 = arith.constant 2 : i32
      %mul3A_100 = arith.muli %mul3A_99, %while3A_98 : i32
      %add3A_101 = arith.constant 0 : i32
      %add3A_102 = arith.addi %mul3A_100, %add3A_101 : i32
      %gt3A = arith.constant 0 : i32
      %gt3A_103 = arith.cmpi sgt, %while3A_98, %gt3A : i32
      %convert_element_type3A = arith.extui %gt3A_103 : i1 to i32
      %cond3A = arith.constant 0 : i32
      %cond3A_104 = arith.cmpi ne, %convert_element_type3A, %cond3A : i32
      scf.if %cond3A_104 {
        %dma_wait3A_507 = arith.constant 0 : i32
        %dma_wait3A_508 = arith.constant 0 : i32
        %dma_wait3A_509 = arith.constant 0 : i32
        %dma_wait3A_510 = tpu.memref_slice %arg6[%dma_wait3A_507, %dma_wait3A_508, %dma_wait3A_509] : memref<2x512x64xf32, #tpu.memory_space<vmem>> -> memref<1x512x64xf32, #tpu.memory_space<vmem>>
        %dma_wait3A_511 = tpu.memref_squeeze %dma_wait3A_510 : memref<1x512x64xf32, #tpu.memory_space<vmem>> -> memref<512x64xf32, #tpu.memory_space<vmem>>
        %dma_wait3A_512 = arith.constant 0 : i32
        %dma_wait3A_513 = arith.constant 0 : i32
        %dma_wait3A_514 = tpu.memref_slice %arg4[%dma_wait3A_512, %dma_wait3A_513] : memref<835584x64xf32, #tpu.memory_space<hbm>> -> memref<512x64xf32, #tpu.memory_space<hbm>>
        %dma_wait3A_515 = arith.constant 0 : i32
        %dma_wait3A_516 = arith.constant 0 : i32
        %dma_wait3A_517 = tpu.memref_slice %arg4[%dma_wait3A_515, %dma_wait3A_516] : memref<835584x64xf32, #tpu.memory_space<hbm>> -> memref<512x64xf32, #tpu.memory_space<hbm>>
        %dma_wait3A_518 = arith.constant 0 : i32
        %dma_wait3A_519 = arith.constant 0 : i32
        %dma_wait3A_520 = tpu.memref_slice %arg6[%dma_wait3A_507, %dma_wait3A_518, %dma_wait3A_519] : memref<2x512x64xf32, #tpu.memory_space<vmem>> -> memref<1x512x64xf32, #tpu.memory_space<vmem>>
        %dma_wait3A_521 = tpu.memref_squeeze %dma_wait3A_520 : memref<1x512x64xf32, #tpu.memory_space<vmem>> -> memref<512x64xf32, #tpu.memory_space<vmem>>
        tpu.wait_dma2 semaphore(%arg11 : memref<!tpu.dma_semaphore, #tpu.memory_space<semaphore_mem>>) src(%dma_wait3A_521 : memref<512x64xf32, #tpu.memory_space<vmem>>) dst(%dma_wait3A_517 : memref<512x64xf32, #tpu.memory_space<hbm>>)
      } else {
      }
      %dma_wait3A_105 = arith.constant 0 : i32
      %dma_wait3A_106 = arith.constant 0 : i32
      %dma_wait3A_107 = arith.constant 0 : i32
      %dma_wait3A_108 = tpu.memref_slice %arg5[%dma_wait3A_105, %dma_wait3A_106, %dma_wait3A_107] : memref<2x4x128xi32, #tpu.memory_space<vmem>> -> memref<1x4x128xi32, #tpu.memory_space<vmem>>
      %dma_wait3A_109 = tpu.memref_squeeze %dma_wait3A_108 : memref<1x4x128xi32, #tpu.memory_space<vmem>> -> memref<4x128xi32, #tpu.memory_space<vmem>>
      %dma_wait3A_110 = arith.constant 0 : i32
      %dma_wait3A_111 = arith.constant 0 : i32
      %dma_wait3A_112 = tpu.memref_slice %arg2[%dma_wait3A_110, %dma_wait3A_111] : memref<6528x128xi32, #tpu.memory_space<hbm>> -> memref<4x128xi32, #tpu.memory_space<hbm>>
      %dma_wait3A_113 = arith.constant 0 : i32
      %dma_wait3A_114 = arith.constant 0 : i32
      %dma_wait3A_115 = tpu.memref_slice %arg5[%dma_wait3A_105, %dma_wait3A_113, %dma_wait3A_114] : memref<2x4x128xi32, #tpu.memory_space<vmem>> -> memref<1x4x128xi32, #tpu.memory_space<vmem>>
      %dma_wait3A_116 = tpu.memref_squeeze %dma_wait3A_115 : memref<1x4x128xi32, #tpu.memory_space<vmem>> -> memref<4x128xi32, #tpu.memory_space<vmem>>
      %dma_wait3A_117 = arith.constant 0 : i32
      %dma_wait3A_118 = arith.constant 0 : i32
      %dma_wait3A_119 = tpu.memref_slice %arg2[%dma_wait3A_117, %dma_wait3A_118] : memref<6528x128xi32, #tpu.memory_space<hbm>> -> memref<4x128xi32, #tpu.memory_space<hbm>>
      tpu.wait_dma2 semaphore(%arg7 : memref<!tpu.dma_semaphore, #tpu.memory_space<semaphore_mem>>) src(%dma_wait3A_119 : memref<4x128xi32, #tpu.memory_space<hbm>>) dst(%dma_wait3A_116 : memref<4x128xi32, #tpu.memory_space<vmem>>)
      %dma_start3A_120 = arith.constant 0 : i32
      %dma_start3A_121 = arith.constant 0 : i32
      %dma_start3A_122 = arith.constant 0 : i32
      %dma_start3A_123 = arith.constant 0 : i32
      %dma_start3A_124 = arith.constant 0 : i32
      %dma_start3A_125 = tpu.memref_slice %arg6[%dma_start3A_122, %dma_start3A_123, %dma_start3A_124] : memref<2x512x64xf32, #tpu.memory_space<vmem>> -> memref<1x512x64xf32, #tpu.memory_space<vmem>>
      %dma_start3A_126 = tpu.memref_squeeze %dma_start3A_125 : memref<1x512x64xf32, #tpu.memory_space<vmem>> -> memref<512x64xf32, #tpu.memory_space<vmem>>
      %dma_start3A_127 = arith.constant 0 : i32
      %dma_start3A_128 = arith.constant 0 : i32
      %dma_start3A_129 = tpu.memref_slice %dma_start3A_126[%dma_start3A_127, %dma_start3A_128] : memref<512x64xf32, #tpu.memory_space<vmem>> -> memref<128x64xf32, #tpu.memory_space<vmem>>
      %dma_start3A_130 = arith.constant 0 : i32
      %dma_start3A_131 = arith.constant 0 : i32
      %dma_start3A_132 = tpu.memref_slice %arg5[%dma_start3A_120, %dma_start3A_130, %dma_start3A_131] : memref<2x4x128xi32, #tpu.memory_space<vmem>> -> memref<1x4x128xi32, #tpu.memory_space<vmem>>
      %dma_start3A_133 = tpu.memref_squeeze %dma_start3A_132 : memref<1x4x128xi32, #tpu.memory_space<vmem>> -> memref<4x128xi32, #tpu.memory_space<vmem>>
      %dma_start3A_134 = arith.constant 0 : i32
      %dma_start3A_135 = tpu.memref_slice %dma_start3A_133[%dma_start3A_121, %dma_start3A_134] : memref<4x128xi32, #tpu.memory_space<vmem>> -> memref<1x128xi32, #tpu.memory_space<vmem>>
      %dma_start3A_136 = tpu.memref_squeeze %dma_start3A_135 : memref<1x128xi32, #tpu.memory_space<vmem>> -> memref<128xi32, #tpu.memory_space<vmem>>
      %dma_start3A_137 = arith.constant 0 : i32
      %dma_start3A_138 = arith.constant 0 : i32
      %dma_start3A_139 = tpu.memref_slice %arg3[%dma_start3A_137, %dma_start3A_138] : memref<100000x64xf32, #tpu.memory_space<hbm>> -> memref<100000x64xf32, #tpu.memory_space<hbm>>
      tpu.enqueue_indirect_dma source(%dma_start3A_139 : memref<100000x64xf32, #tpu.memory_space<hbm>>) target(%dma_start3A_129 : memref<128x64xf32, #tpu.memory_space<vmem>>) offsets(%dma_start3A_136 : memref<128xi32, #tpu.memory_space<vmem>>) semaphore(%arg9 : memref<!tpu.dma_semaphore, #tpu.memory_space<semaphore_mem>>)
      %dma_start3A_140 = arith.constant 0 : i32
      %dma_start3A_141 = arith.constant 1 : i32
      %dma_start3A_142 = arith.constant 0 : i32
      %dma_start3A_143 = arith.constant 0 : i32
      %dma_start3A_144 = arith.constant 0 : i32
      %dma_start3A_145 = tpu.memref_slice %arg6[%dma_start3A_142, %dma_start3A_143, %dma_start3A_144] : memref<2x512x64xf32, #tpu.memory_space<vmem>> -> memref<1x512x64xf32, #tpu.memory_space<vmem>>
      %dma_start3A_146 = tpu.memref_squeeze %dma_start3A_145 : memref<1x512x64xf32, #tpu.memory_space<vmem>> -> memref<512x64xf32, #tpu.memory_space<vmem>>
      %dma_start3A_147 = arith.constant 128 : i32
      %dma_start3A_148 = arith.constant 0 : i32
      %dma_start3A_149 = tpu.memref_slice %dma_start3A_146[%dma_start3A_147, %dma_start3A_148] : memref<512x64xf32, #tpu.memory_space<vmem>> -> memref<128x64xf32, #tpu.memory_space<vmem>>
      %dma_start3A_150 = arith.constant 0 : i32
      %dma_start3A_151 = arith.constant 0 : i32
      %dma_start3A_152 = tpu.memref_slice %arg5[%dma_start3A_140, %dma_start3A_150, %dma_start3A_151] : memref<2x4x128xi32, #tpu.memory_space<vmem>> -> memref<1x4x128xi32, #tpu.memory_space<vmem>>
      %dma_start3A_153 = tpu.memref_squeeze %dma_start3A_152 : memref<1x4x128xi32, #tpu.memory_space<vmem>> -> memref<4x128xi32, #tpu.memory_space<vmem>>
      %dma_start3A_154 = arith.constant 0 : i32
      %dma_start3A_155 = tpu.memref_slice %dma_start3A_153[%dma_start3A_141, %dma_start3A_154] : memref<4x128xi32, #tpu.memory_space<vmem>> -> memref<1x128xi32, #tpu.memory_space<vmem>>
      %dma_start3A_156 = tpu.memref_squeeze %dma_start3A_155 : memref<1x128xi32, #tpu.memory_space<vmem>> -> memref<128xi32, #tpu.memory_space<vmem>>
      %dma_start3A_157 = arith.constant 0 : i32
      %dma_start3A_158 = arith.constant 0 : i32
      %dma_start3A_159 = tpu.memref_slice %arg3[%dma_start3A_157, %dma_start3A_158] : memref<100000x64xf32, #tpu.memory_space<hbm>> -> memref<100000x64xf32, #tpu.memory_space<hbm>>
      tpu.enqueue_indirect_dma source(%dma_start3A_159 : memref<100000x64xf32, #tpu.memory_space<hbm>>) target(%dma_start3A_149 : memref<128x64xf32, #tpu.memory_space<vmem>>) offsets(%dma_start3A_156 : memref<128xi32, #tpu.memory_space<vmem>>) semaphore(%arg9 : memref<!tpu.dma_semaphore, #tpu.memory_space<semaphore_mem>>)
      %dma_start3A_160 = arith.constant 0 : i32
      %dma_start3A_161 = arith.constant 2 : i32
      %dma_start3A_162 = arith.constant 0 : i32
      %dma_start3A_163 = arith.constant 0 : i32
      %dma_start3A_164 = arith.constant 0 : i32
      %dma_start3A_165 = tpu.memref_slice %arg6[%dma_start3A_162, %dma_start3A_163, %dma_start3A_164] : memref<2x512x64xf32, #tpu.memory_space<vmem>> -> memref<1x512x64xf32, #tpu.memory_space<vmem>>
      %dma_start3A_166 = tpu.memref_squeeze %dma_start3A_165 : memref<1x512x64xf32, #tpu.memory_space<vmem>> -> memref<512x64xf32, #tpu.memory_space<vmem>>
      %dma_start3A_167 = arith.constant 256 : i32
      %dma_start3A_168 = arith.constant 0 : i32
      %dma_start3A_169 = tpu.memref_slice %dma_start3A_166[%dma_start3A_167, %dma_start3A_168] : memref<512x64xf32, #tpu.memory_space<vmem>> -> memref<128x64xf32, #tpu.memory_space<vmem>>
      %dma_start3A_170 = arith.constant 0 : i32
      %dma_start3A_171 = arith.constant 0 : i32
      %dma_start3A_172 = tpu.memref_slice %arg5[%dma_start3A_160, %dma_start3A_170, %dma_start3A_171] : memref<2x4x128xi32, #tpu.memory_space<vmem>> -> memref<1x4x128xi32, #tpu.memory_space<vmem>>
      %dma_start3A_173 = tpu.memref_squeeze %dma_start3A_172 : memref<1x4x128xi32, #tpu.memory_space<vmem>> -> memref<4x128xi32, #tpu.memory_space<vmem>>
      %dma_start3A_174 = arith.constant 0 : i32
      %dma_start3A_175 = tpu.memref_slice %dma_start3A_173[%dma_start3A_161, %dma_start3A_174] : memref<4x128xi32, #tpu.memory_space<vmem>> -> memref<1x128xi32, #tpu.memory_space<vmem>>
      %dma_start3A_176 = tpu.memref_squeeze %dma_start3A_175 : memref<1x128xi32, #tpu.memory_space<vmem>> -> memref<128xi32, #tpu.memory_space<vmem>>
      %dma_start3A_177 = arith.constant 0 : i32
      %dma_start3A_178 = arith.constant 0 : i32
      %dma_start3A_179 = tpu.memref_slice %arg3[%dma_start3A_177, %dma_start3A_178] : memref<100000x64xf32, #tpu.memory_space<hbm>> -> memref<100000x64xf32, #tpu.memory_space<hbm>>
      tpu.enqueue_indirect_dma source(%dma_start3A_179 : memref<100000x64xf32, #tpu.memory_space<hbm>>) target(%dma_start3A_169 : memref<128x64xf32, #tpu.memory_space<vmem>>) offsets(%dma_start3A_176 : memref<128xi32, #tpu.memory_space<vmem>>) semaphore(%arg9 : memref<!tpu.dma_semaphore, #tpu.memory_space<semaphore_mem>>)
      %dma_start3A_180 = arith.constant 0 : i32
      %dma_start3A_181 = arith.constant 3 : i32
      %dma_start3A_182 = arith.constant 0 : i32
      %dma_start3A_183 = arith.constant 0 : i32
      %dma_start3A_184 = arith.constant 0 : i32
      %dma_start3A_185 = tpu.memref_slice %arg6[%dma_start3A_182, %dma_start3A_183, %dma_start3A_184] : memref<2x512x64xf32, #tpu.memory_space<vmem>> -> memref<1x512x64xf32, #tpu.memory_space<vmem>>
      %dma_start3A_186 = tpu.memref_squeeze %dma_start3A_185 : memref<1x512x64xf32, #tpu.memory_space<vmem>> -> memref<512x64xf32, #tpu.memory_space<vmem>>
      %dma_start3A_187 = arith.constant 384 : i32
      %dma_start3A_188 = arith.constant 0 : i32
      %dma_start3A_189 = tpu.memref_slice %dma_start3A_186[%dma_start3A_187, %dma_start3A_188] : memref<512x64xf32, #tpu.memory_space<vmem>> -> memref<128x64xf32, #tpu.memory_space<vmem>>
      %dma_start3A_190 = arith.constant 0 : i32
      %dma_start3A_191 = arith.constant 0 : i32
      %dma_start3A_192 = tpu.memref_slice %arg5[%dma_start3A_180, %dma_start3A_190, %dma_start3A_191] : memref<2x4x128xi32, #tpu.memory_space<vmem>> -> memref<1x4x128xi32, #tpu.memory_space<vmem>>
      %dma_start3A_193 = tpu.memref_squeeze %dma_start3A_192 : memref<1x4x128xi32, #tpu.memory_space<vmem>> -> memref<4x128xi32, #tpu.memory_space<vmem>>
      %dma_start3A_194 = arith.constant 0 : i32
      %dma_start3A_195 = tpu.memref_slice %dma_start3A_193[%dma_start3A_181, %dma_start3A_194] : memref<4x128xi32, #tpu.memory_space<vmem>> -> memref<1x128xi32, #tpu.memory_space<vmem>>
      %dma_start3A_196 = tpu.memref_squeeze %dma_start3A_195 : memref<1x128xi32, #tpu.memory_space<vmem>> -> memref<128xi32, #tpu.memory_space<vmem>>
      %dma_start3A_197 = arith.constant 0 : i32
      %dma_start3A_198 = arith.constant 0 : i32
      %dma_start3A_199 = tpu.memref_slice %arg3[%dma_start3A_197, %dma_start3A_198] : memref<100000x64xf32, #tpu.memory_space<hbm>> -> memref<100000x64xf32, #tpu.memory_space<hbm>>
      tpu.enqueue_indirect_dma source(%dma_start3A_199 : memref<100000x64xf32, #tpu.memory_space<hbm>>) target(%dma_start3A_189 : memref<128x64xf32, #tpu.memory_space<vmem>>) offsets(%dma_start3A_196 : memref<128xi32, #tpu.memory_space<vmem>>) semaphore(%arg9 : memref<!tpu.dma_semaphore, #tpu.memory_space<semaphore_mem>>)
      %dma_wait3A_200 = arith.constant 0 : i32
      %dma_wait3A_201 = arith.constant 0 : i32
      %dma_wait3A_202 = arith.constant 0 : i32
      %dma_wait3A_203 = arith.constant 0 : i32
      %dma_wait3A_204 = arith.constant 0 : i32
      %dma_wait3A_205 = tpu.memref_slice %arg6[%dma_wait3A_202, %dma_wait3A_203, %dma_wait3A_204] : memref<2x512x64xf32, #tpu.memory_space<vmem>> -> memref<1x512x64xf32, #tpu.memory_space<vmem>>
      %dma_wait3A_206 = tpu.memref_squeeze %dma_wait3A_205 : memref<1x512x64xf32, #tpu.memory_space<vmem>> -> memref<512x64xf32, #tpu.memory_space<vmem>>
      %dma_wait3A_207 = arith.constant 0 : i32
      %dma_wait3A_208 = arith.constant 0 : i32
      %dma_wait3A_209 = tpu.memref_slice %dma_wait3A_206[%dma_wait3A_207, %dma_wait3A_208] : memref<512x64xf32, #tpu.memory_space<vmem>> -> memref<128x64xf32, #tpu.memory_space<vmem>>
      %dma_wait3A_210 = arith.constant 0 : i32
      %dma_wait3A_211 = arith.constant 0 : i32
      %dma_wait3A_212 = tpu.memref_slice %arg5[%dma_wait3A_200, %dma_wait3A_210, %dma_wait3A_211] : memref<2x4x128xi32, #tpu.memory_space<vmem>> -> memref<1x4x128xi32, #tpu.memory_space<vmem>>
      %dma_wait3A_213 = tpu.memref_squeeze %dma_wait3A_212 : memref<1x4x128xi32, #tpu.memory_space<vmem>> -> memref<4x128xi32, #tpu.memory_space<vmem>>
      %dma_wait3A_214 = arith.constant 0 : i32
      %dma_wait3A_215 = tpu.memref_slice %dma_wait3A_213[%dma_wait3A_201, %dma_wait3A_214] : memref<4x128xi32, #tpu.memory_space<vmem>> -> memref<1x128xi32, #tpu.memory_space<vmem>>
      %dma_wait3A_216 = tpu.memref_squeeze %dma_wait3A_215 : memref<1x128xi32, #tpu.memory_space<vmem>> -> memref<128xi32, #tpu.memory_space<vmem>>
      %dma_wait3A_217 = arith.constant 0 : i32
      %dma_wait3A_218 = arith.constant 0 : i32
      %dma_wait3A_219 = tpu.memref_slice %arg3[%dma_wait3A_217, %dma_wait3A_218] : memref<100000x64xf32, #tpu.memory_space<hbm>> -> memref<100000x64xf32, #tpu.memory_space<hbm>>
      tpu.wait_indirect_dma semaphore(%arg9 : memref<!tpu.dma_semaphore, #tpu.memory_space<semaphore_mem>>) src(%dma_wait3A_219 : memref<100000x64xf32, #tpu.memory_space<hbm>>) dst(%dma_wait3A_209 : memref<128x64xf32, #tpu.memory_space<vmem>>)
      %dma_wait3A_220 = arith.constant 0 : i32
      %dma_wait3A_221 = arith.constant 1 : i32
      %dma_wait3A_222 = arith.constant 0 : i32
      %dma_wait3A_223 = arith.constant 0 : i32
      %dma_wait3A_224 = arith.constant 0 : i32
      %dma_wait3A_225 = tpu.memref_slice %arg6[%dma_wait3A_222, %dma_wait3A_223, %dma_wait3A_224] : memref<2x512x64xf32, #tpu.memory_space<vmem>> -> memref<1x512x64xf32, #tpu.memory_space<vmem>>
      %dma_wait3A_226 = tpu.memref_squeeze %dma_wait3A_225 : memref<1x512x64xf32, #tpu.memory_space<vmem>> -> memref<512x64xf32, #tpu.memory_space<vmem>>
      %dma_wait3A_227 = arith.constant 128 : i32
      %dma_wait3A_228 = arith.constant 0 : i32
      %dma_wait3A_229 = tpu.memref_slice %dma_wait3A_226[%dma_wait3A_227, %dma_wait3A_228] : memref<512x64xf32, #tpu.memory_space<vmem>> -> memref<128x64xf32, #tpu.memory_space<vmem>>
      %dma_wait3A_230 = arith.constant 0 : i32
      %dma_wait3A_231 = arith.constant 0 : i32
      %dma_wait3A_232 = tpu.memref_slice %arg5[%dma_wait3A_220, %dma_wait3A_230, %dma_wait3A_231] : memref<2x4x128xi32, #tpu.memory_space<vmem>> -> memref<1x4x128xi32, #tpu.memory_space<vmem>>
      %dma_wait3A_233 = tpu.memref_squeeze %dma_wait3A_232 : memref<1x4x128xi32, #tpu.memory_space<vmem>> -> memref<4x128xi32, #tpu.memory_space<vmem>>
      %dma_wait3A_234 = arith.constant 0 : i32
      %dma_wait3A_235 = tpu.memref_slice %dma_wait3A_233[%dma_wait3A_221, %dma_wait3A_234] : memref<4x128xi32, #tpu.memory_space<vmem>> -> memref<1x128xi32, #tpu.memory_space<vmem>>
      %dma_wait3A_236 = tpu.memref_squeeze %dma_wait3A_235 : memref<1x128xi32, #tpu.memory_space<vmem>> -> memref<128xi32, #tpu.memory_space<vmem>>
      %dma_wait3A_237 = arith.constant 0 : i32
      %dma_wait3A_238 = arith.constant 0 : i32
      %dma_wait3A_239 = tpu.memref_slice %arg3[%dma_wait3A_237, %dma_wait3A_238] : memref<100000x64xf32, #tpu.memory_space<hbm>> -> memref<100000x64xf32, #tpu.memory_space<hbm>>
      tpu.wait_indirect_dma semaphore(%arg9 : memref<!tpu.dma_semaphore, #tpu.memory_space<semaphore_mem>>) src(%dma_wait3A_239 : memref<100000x64xf32, #tpu.memory_space<hbm>>) dst(%dma_wait3A_229 : memref<128x64xf32, #tpu.memory_space<vmem>>)
      %dma_wait3A_240 = arith.constant 0 : i32
      %dma_wait3A_241 = arith.constant 2 : i32
      %dma_wait3A_242 = arith.constant 0 : i32
      %dma_wait3A_243 = arith.constant 0 : i32
      %dma_wait3A_244 = arith.constant 0 : i32
      %dma_wait3A_245 = tpu.memref_slice %arg6[%dma_wait3A_242, %dma_wait3A_243, %dma_wait3A_244] : memref<2x512x64xf32, #tpu.memory_space<vmem>> -> memref<1x512x64xf32, #tpu.memory_space<vmem>>
      %dma_wait3A_246 = tpu.memref_squeeze %dma_wait3A_245 : memref<1x512x64xf32, #tpu.memory_space<vmem>> -> memref<512x64xf32, #tpu.memory_space<vmem>>
      %dma_wait3A_247 = arith.constant 256 : i32
      %dma_wait3A_248 = arith.constant 0 : i32
      %dma_wait3A_249 = tpu.memref_slice %dma_wait3A_246[%dma_wait3A_247, %dma_wait3A_248] : memref<512x64xf32, #tpu.memory_space<vmem>> -> memref<128x64xf32, #tpu.memory_space<vmem>>
      %dma_wait3A_250 = arith.constant 0 : i32
      %dma_wait3A_251 = arith.constant 0 : i32
      %dma_wait3A_252 = tpu.memref_slice %arg5[%dma_wait3A_240, %dma_wait3A_250, %dma_wait3A_251] : memref<2x4x128xi32, #tpu.memory_space<vmem>> -> memref<1x4x128xi32, #tpu.memory_space<vmem>>
      %dma_wait3A_253 = tpu.memref_squeeze %dma_wait3A_252 : memref<1x4x128xi32, #tpu.memory_space<vmem>> -> memref<4x128xi32, #tpu.memory_space<vmem>>
      %dma_wait3A_254 = arith.constant 0 : i32
      %dma_wait3A_255 = tpu.memref_slice %dma_wait3A_253[%dma_wait3A_241, %dma_wait3A_254] : memref<4x128xi32, #tpu.memory_space<vmem>> -> memref<1x128xi32, #tpu.memory_space<vmem>>
      %dma_wait3A_256 = tpu.memref_squeeze %dma_wait3A_255 : memref<1x128xi32, #tpu.memory_space<vmem>> -> memref<128xi32, #tpu.memory_space<vmem>>
      %dma_wait3A_257 = arith.constant 0 : i32
      %dma_wait3A_258 = arith.constant 0 : i32
      %dma_wait3A_259 = tpu.memref_slice %arg3[%dma_wait3A_257, %dma_wait3A_258] : memref<100000x64xf32, #tpu.memory_space<hbm>> -> memref<100000x64xf32, #tpu.memory_space<hbm>>
      tpu.wait_indirect_dma semaphore(%arg9 : memref<!tpu.dma_semaphore, #tpu.memory_space<semaphore_mem>>) src(%dma_wait3A_259 : memref<100000x64xf32, #tpu.memory_space<hbm>>) dst(%dma_wait3A_249 : memref<128x64xf32, #tpu.memory_space<vmem>>)
      %dma_wait3A_260 = arith.constant 0 : i32
      %dma_wait3A_261 = arith.constant 3 : i32
      %dma_wait3A_262 = arith.constant 0 : i32
      %dma_wait3A_263 = arith.constant 0 : i32
      %dma_wait3A_264 = arith.constant 0 : i32
      %dma_wait3A_265 = tpu.memref_slice %arg6[%dma_wait3A_262, %dma_wait3A_263, %dma_wait3A_264] : memref<2x512x64xf32, #tpu.memory_space<vmem>> -> memref<1x512x64xf32, #tpu.memory_space<vmem>>
      %dma_wait3A_266 = tpu.memref_squeeze %dma_wait3A_265 : memref<1x512x64xf32, #tpu.memory_space<vmem>> -> memref<512x64xf32, #tpu.memory_space<vmem>>
      %dma_wait3A_267 = arith.constant 384 : i32
      %dma_wait3A_268 = arith.constant 0 : i32
      %dma_wait3A_269 = tpu.memref_slice %dma_wait3A_266[%dma_wait3A_267, %dma_wait3A_268] : memref<512x64xf32, #tpu.memory_space<vmem>> -> memref<128x64xf32, #tpu.memory_space<vmem>>
      %dma_wait3A_270 = arith.constant 0 : i32
      %dma_wait3A_271 = arith.constant 0 : i32
      %dma_wait3A_272 = tpu.memref_slice %arg5[%dma_wait3A_260, %dma_wait3A_270, %dma_wait3A_271] : memref<2x4x128xi32, #tpu.memory_space<vmem>> -> memref<1x4x128xi32, #tpu.memory_space<vmem>>
      %dma_wait3A_273 = tpu.memref_squeeze %dma_wait3A_272 : memref<1x4x128xi32, #tpu.memory_space<vmem>> -> memref<4x128xi32, #tpu.memory_space<vmem>>
      %dma_wait3A_274 = arith.constant 0 : i32
      %dma_wait3A_275 = tpu.memref_slice %dma_wait3A_273[%dma_wait3A_261, %dma_wait3A_274] : memref<4x128xi32, #tpu.memory_space<vmem>> -> memref<1x128xi32, #tpu.memory_space<vmem>>
      %dma_wait3A_276 = tpu.memref_squeeze %dma_wait3A_275 : memref<1x128xi32, #tpu.memory_space<vmem>> -> memref<128xi32, #tpu.memory_space<vmem>>
      %dma_wait3A_277 = arith.constant 0 : i32
      %dma_wait3A_278 = arith.constant 0 : i32
      %dma_wait3A_279 = tpu.memref_slice %arg3[%dma_wait3A_277, %dma_wait3A_278] : memref<100000x64xf32, #tpu.memory_space<hbm>> -> memref<100000x64xf32, #tpu.memory_space<hbm>>
      tpu.wait_indirect_dma semaphore(%arg9 : memref<!tpu.dma_semaphore, #tpu.memory_space<semaphore_mem>>) src(%dma_wait3A_279 : memref<100000x64xf32, #tpu.memory_space<hbm>>) dst(%dma_wait3A_269 : memref<128x64xf32, #tpu.memory_space<vmem>>)
      %add3A_280 = arith.constant 2 : i32
      %add3A_281 = arith.addi %add3A_102, %add3A_280 : i32
      %lt3A = arith.cmpi slt, %add3A_281, %select_n3A_8 : i32
      %convert_element_type3A_282 = arith.extui %lt3A : i1 to i32
      %cond3A_283 = arith.constant 0 : i32
      %cond3A_284 = arith.cmpi ne, %convert_element_type3A_282, %cond3A_283 : i32
      scf.if %cond3A_284 {
        %add3A_507 = arith.constant 2 : i32
        %add3A_508 = arith.addi %add3A_102, %add3A_507 : i32
        %add3A_509 = arith.addi %select_n3A, %add3A_508 : i32
        %mul3A_510 = arith.constant 4 : i32
        %mul3A_511 = arith.muli %add3A_509, %mul3A_510 : i32
        %dma_start3A_512 = arith.constant 0 : i32
        %dma_start3A_513 = arith.constant 0 : i32
        %dma_start3A_514 = arith.constant 0 : i32
        %dma_start3A_515 = tpu.memref_slice %arg5[%dma_start3A_512, %dma_start3A_513, %dma_start3A_514] : memref<2x4x128xi32, #tpu.memory_space<vmem>> -> memref<1x4x128xi32, #tpu.memory_space<vmem>>
        %dma_start3A_516 = tpu.memref_squeeze %dma_start3A_515 : memref<1x4x128xi32, #tpu.memory_space<vmem>> -> memref<4x128xi32, #tpu.memory_space<vmem>>
        %dma_start3A_517 = arith.constant 0 : i32
        %dma_start3A_518 = tpu.memref_slice %arg2[%mul3A_511, %dma_start3A_517] : memref<6528x128xi32, #tpu.memory_space<hbm>> -> memref<4x128xi32, #tpu.memory_space<hbm>>
        %dma_start3A_519 = arith.constant 0 : i32
        %dma_start3A_520 = arith.constant 0 : i32
        %dma_start3A_521 = tpu.memref_slice %arg5[%dma_start3A_512, %dma_start3A_519, %dma_start3A_520] : memref<2x4x128xi32, #tpu.memory_space<vmem>> -> memref<1x4x128xi32, #tpu.memory_space<vmem>>
        %dma_start3A_522 = tpu.memref_squeeze %dma_start3A_521 : memref<1x4x128xi32, #tpu.memory_space<vmem>> -> memref<4x128xi32, #tpu.memory_space<vmem>>
        %dma_start3A_523 = arith.constant 0 : i32
        %dma_start3A_524 = tpu.memref_slice %arg2[%mul3A_511, %dma_start3A_523] : memref<6528x128xi32, #tpu.memory_space<hbm>> -> memref<4x128xi32, #tpu.memory_space<hbm>>
        tpu.enqueue_dma source(%dma_start3A_524 : memref<4x128xi32, #tpu.memory_space<hbm>>) target(%dma_start3A_522 : memref<4x128xi32, #tpu.memory_space<vmem>>) target_semaphore(%arg7 : memref<!tpu.dma_semaphore, #tpu.memory_space<semaphore_mem>>)
      } else {
      }
      %add3A_285 = arith.addi %select_n3A, %add3A_102 : i32
      %mul3A_286 = arith.constant 512 : i32
      %mul3A_287 = arith.muli %add3A_285, %mul3A_286 : i32
      %dma_start3A_288 = arith.constant 0 : i32
      %dma_start3A_289 = arith.constant 0 : i32
      %dma_start3A_290 = arith.constant 0 : i32
      %dma_start3A_291 = tpu.memref_slice %arg6[%dma_start3A_288, %dma_start3A_289, %dma_start3A_290] : memref<2x512x64xf32, #tpu.memory_space<vmem>> -> memref<1x512x64xf32, #tpu.memory_space<vmem>>
      %dma_start3A_292 = tpu.memref_squeeze %dma_start3A_291 : memref<1x512x64xf32, #tpu.memory_space<vmem>> -> memref<512x64xf32, #tpu.memory_space<vmem>>
      %dma_start3A_293 = arith.constant 0 : i32
      %dma_start3A_294 = tpu.memref_slice %arg4[%mul3A_287, %dma_start3A_293] : memref<835584x64xf32, #tpu.memory_space<hbm>> -> memref<512x64xf32, #tpu.memory_space<hbm>>
      %dma_start3A_295 = arith.constant 0 : i32
      %dma_start3A_296 = tpu.memref_slice %arg4[%mul3A_287, %dma_start3A_295] : memref<835584x64xf32, #tpu.memory_space<hbm>> -> memref<512x64xf32, #tpu.memory_space<hbm>>
      %dma_start3A_297 = arith.constant 0 : i32
      %dma_start3A_298 = arith.constant 0 : i32
      %dma_start3A_299 = tpu.memref_slice %arg6[%dma_start3A_288, %dma_start3A_297, %dma_start3A_298] : memref<2x512x64xf32, #tpu.memory_space<vmem>> -> memref<1x512x64xf32, #tpu.memory_space<vmem>>
      %dma_start3A_300 = tpu.memref_squeeze %dma_start3A_299 : memref<1x512x64xf32, #tpu.memory_space<vmem>> -> memref<512x64xf32, #tpu.memory_space<vmem>>
      tpu.enqueue_dma source(%dma_start3A_300 : memref<512x64xf32, #tpu.memory_space<vmem>>) target(%dma_start3A_296 : memref<512x64xf32, #tpu.memory_space<hbm>>) target_semaphore(%arg11 : memref<!tpu.dma_semaphore, #tpu.memory_space<semaphore_mem>>)
      %mul3A_301 = arith.constant 2 : i32
      %mul3A_302 = arith.muli %mul3A_301, %while3A_98 : i32
      %add3A_303 = arith.constant 1 : i32
      %add3A_304 = arith.addi %mul3A_302, %add3A_303 : i32
      %gt3A_305 = arith.constant 0 : i32
      %gt3A_306 = arith.cmpi sgt, %while3A_98, %gt3A_305 : i32
      %convert_element_type3A_307 = arith.extui %gt3A_306 : i1 to i32
      %cond3A_308 = arith.constant 0 : i32
      %cond3A_309 = arith.cmpi ne, %convert_element_type3A_307, %cond3A_308 : i32
      scf.if %cond3A_309 {
        %dma_wait3A_507 = arith.constant 1 : i32
        %dma_wait3A_508 = arith.constant 0 : i32
        %dma_wait3A_509 = arith.constant 0 : i32
        %dma_wait3A_510 = tpu.memref_slice %arg6[%dma_wait3A_507, %dma_wait3A_508, %dma_wait3A_509] : memref<2x512x64xf32, #tpu.memory_space<vmem>> -> memref<1x512x64xf32, #tpu.memory_space<vmem>>
        %dma_wait3A_511 = tpu.memref_squeeze %dma_wait3A_510 : memref<1x512x64xf32, #tpu.memory_space<vmem>> -> memref<512x64xf32, #tpu.memory_space<vmem>>
        %dma_wait3A_512 = arith.constant 0 : i32
        %dma_wait3A_513 = arith.constant 0 : i32
        %dma_wait3A_514 = tpu.memref_slice %arg4[%dma_wait3A_512, %dma_wait3A_513] : memref<835584x64xf32, #tpu.memory_space<hbm>> -> memref<512x64xf32, #tpu.memory_space<hbm>>
        %dma_wait3A_515 = arith.constant 0 : i32
        %dma_wait3A_516 = arith.constant 0 : i32
        %dma_wait3A_517 = tpu.memref_slice %arg4[%dma_wait3A_515, %dma_wait3A_516] : memref<835584x64xf32, #tpu.memory_space<hbm>> -> memref<512x64xf32, #tpu.memory_space<hbm>>
        %dma_wait3A_518 = arith.constant 0 : i32
        %dma_wait3A_519 = arith.constant 0 : i32
        %dma_wait3A_520 = tpu.memref_slice %arg6[%dma_wait3A_507, %dma_wait3A_518, %dma_wait3A_519] : memref<2x512x64xf32, #tpu.memory_space<vmem>> -> memref<1x512x64xf32, #tpu.memory_space<vmem>>
        %dma_wait3A_521 = tpu.memref_squeeze %dma_wait3A_520 : memref<1x512x64xf32, #tpu.memory_space<vmem>> -> memref<512x64xf32, #tpu.memory_space<vmem>>
        tpu.wait_dma2 semaphore(%arg12 : memref<!tpu.dma_semaphore, #tpu.memory_space<semaphore_mem>>) src(%dma_wait3A_521 : memref<512x64xf32, #tpu.memory_space<vmem>>) dst(%dma_wait3A_517 : memref<512x64xf32, #tpu.memory_space<hbm>>)
      } else {
      }
      %dma_wait3A_310 = arith.constant 1 : i32
      %dma_wait3A_311 = arith.constant 0 : i32
      %dma_wait3A_312 = arith.constant 0 : i32
      %dma_wait3A_313 = tpu.memref_slice %arg5[%dma_wait3A_310, %dma_wait3A_311, %dma_wait3A_312] : memref<2x4x128xi32, #tpu.memory_space<vmem>> -> memref<1x4x128xi32, #tpu.memory_space<vmem>>
      %dma_wait3A_314 = tpu.memref_squeeze %dma_wait3A_313 : memref<1x4x128xi32, #tpu.memory_space<vmem>> -> memref<4x128xi32, #tpu.memory_space<vmem>>
      %dma_wait3A_315 = arith.constant 0 : i32
      %dma_wait3A_316 = arith.constant 0 : i32
      %dma_wait3A_317 = tpu.memref_slice %arg2[%dma_wait3A_315, %dma_wait3A_316] : memref<6528x128xi32, #tpu.memory_space<hbm>> -> memref<4x128xi32, #tpu.memory_space<hbm>>
      %dma_wait3A_318 = arith.constant 0 : i32
      %dma_wait3A_319 = arith.constant 0 : i32
      %dma_wait3A_320 = tpu.memref_slice %arg5[%dma_wait3A_310, %dma_wait3A_318, %dma_wait3A_319] : memref<2x4x128xi32, #tpu.memory_space<vmem>> -> memref<1x4x128xi32, #tpu.memory_space<vmem>>
      %dma_wait3A_321 = tpu.memref_squeeze %dma_wait3A_320 : memref<1x4x128xi32, #tpu.memory_space<vmem>> -> memref<4x128xi32, #tpu.memory_space<vmem>>
      %dma_wait3A_322 = arith.constant 0 : i32
      %dma_wait3A_323 = arith.constant 0 : i32
      %dma_wait3A_324 = tpu.memref_slice %arg2[%dma_wait3A_322, %dma_wait3A_323] : memref<6528x128xi32, #tpu.memory_space<hbm>> -> memref<4x128xi32, #tpu.memory_space<hbm>>
      tpu.wait_dma2 semaphore(%arg8 : memref<!tpu.dma_semaphore, #tpu.memory_space<semaphore_mem>>) src(%dma_wait3A_324 : memref<4x128xi32, #tpu.memory_space<hbm>>) dst(%dma_wait3A_321 : memref<4x128xi32, #tpu.memory_space<vmem>>)
      %dma_start3A_325 = arith.constant 1 : i32
      %dma_start3A_326 = arith.constant 0 : i32
      %dma_start3A_327 = arith.constant 1 : i32
      %dma_start3A_328 = arith.constant 0 : i32
      %dma_start3A_329 = arith.constant 0 : i32
      %dma_start3A_330 = tpu.memref_slice %arg6[%dma_start3A_327, %dma_start3A_328, %dma_start3A_329] : memref<2x512x64xf32, #tpu.memory_space<vmem>> -> memref<1x512x64xf32, #tpu.memory_space<vmem>>
      %dma_start3A_331 = tpu.memref_squeeze %dma_start3A_330 : memref<1x512x64xf32, #tpu.memory_space<vmem>> -> memref<512x64xf32, #tpu.memory_space<vmem>>
      %dma_start3A_332 = arith.constant 0 : i32
      %dma_start3A_333 = arith.constant 0 : i32
      %dma_start3A_334 = tpu.memref_slice %dma_start3A_331[%dma_start3A_332, %dma_start3A_333] : memref<512x64xf32, #tpu.memory_space<vmem>> -> memref<128x64xf32, #tpu.memory_space<vmem>>
      %dma_start3A_335 = arith.constant 0 : i32
      %dma_start3A_336 = arith.constant 0 : i32
      %dma_start3A_337 = tpu.memref_slice %arg5[%dma_start3A_325, %dma_start3A_335, %dma_start3A_336] : memref<2x4x128xi32, #tpu.memory_space<vmem>> -> memref<1x4x128xi32, #tpu.memory_space<vmem>>
      %dma_start3A_338 = tpu.memref_squeeze %dma_start3A_337 : memref<1x4x128xi32, #tpu.memory_space<vmem>> -> memref<4x128xi32, #tpu.memory_space<vmem>>
      %dma_start3A_339 = arith.constant 0 : i32
      %dma_start3A_340 = tpu.memref_slice %dma_start3A_338[%dma_start3A_326, %dma_start3A_339] : memref<4x128xi32, #tpu.memory_space<vmem>> -> memref<1x128xi32, #tpu.memory_space<vmem>>
      %dma_start3A_341 = tpu.memref_squeeze %dma_start3A_340 : memref<1x128xi32, #tpu.memory_space<vmem>> -> memref<128xi32, #tpu.memory_space<vmem>>
      %dma_start3A_342 = arith.constant 0 : i32
      %dma_start3A_343 = arith.constant 0 : i32
      %dma_start3A_344 = tpu.memref_slice %arg3[%dma_start3A_342, %dma_start3A_343] : memref<100000x64xf32, #tpu.memory_space<hbm>> -> memref<100000x64xf32, #tpu.memory_space<hbm>>
      tpu.enqueue_indirect_dma source(%dma_start3A_344 : memref<100000x64xf32, #tpu.memory_space<hbm>>) target(%dma_start3A_334 : memref<128x64xf32, #tpu.memory_space<vmem>>) offsets(%dma_start3A_341 : memref<128xi32, #tpu.memory_space<vmem>>) semaphore(%arg10 : memref<!tpu.dma_semaphore, #tpu.memory_space<semaphore_mem>>)
      %dma_start3A_345 = arith.constant 1 : i32
      %dma_start3A_346 = arith.constant 1 : i32
      %dma_start3A_347 = arith.constant 1 : i32
      %dma_start3A_348 = arith.constant 0 : i32
      %dma_start3A_349 = arith.constant 0 : i32
      %dma_start3A_350 = tpu.memref_slice %arg6[%dma_start3A_347, %dma_start3A_348, %dma_start3A_349] : memref<2x512x64xf32, #tpu.memory_space<vmem>> -> memref<1x512x64xf32, #tpu.memory_space<vmem>>
      %dma_start3A_351 = tpu.memref_squeeze %dma_start3A_350 : memref<1x512x64xf32, #tpu.memory_space<vmem>> -> memref<512x64xf32, #tpu.memory_space<vmem>>
      %dma_start3A_352 = arith.constant 128 : i32
      %dma_start3A_353 = arith.constant 0 : i32
      %dma_start3A_354 = tpu.memref_slice %dma_start3A_351[%dma_start3A_352, %dma_start3A_353] : memref<512x64xf32, #tpu.memory_space<vmem>> -> memref<128x64xf32, #tpu.memory_space<vmem>>
      %dma_start3A_355 = arith.constant 0 : i32
      %dma_start3A_356 = arith.constant 0 : i32
      %dma_start3A_357 = tpu.memref_slice %arg5[%dma_start3A_345, %dma_start3A_355, %dma_start3A_356] : memref<2x4x128xi32, #tpu.memory_space<vmem>> -> memref<1x4x128xi32, #tpu.memory_space<vmem>>
      %dma_start3A_358 = tpu.memref_squeeze %dma_start3A_357 : memref<1x4x128xi32, #tpu.memory_space<vmem>> -> memref<4x128xi32, #tpu.memory_space<vmem>>
      %dma_start3A_359 = arith.constant 0 : i32
      %dma_start3A_360 = tpu.memref_slice %dma_start3A_358[%dma_start3A_346, %dma_start3A_359] : memref<4x128xi32, #tpu.memory_space<vmem>> -> memref<1x128xi32, #tpu.memory_space<vmem>>
      %dma_start3A_361 = tpu.memref_squeeze %dma_start3A_360 : memref<1x128xi32, #tpu.memory_space<vmem>> -> memref<128xi32, #tpu.memory_space<vmem>>
      %dma_start3A_362 = arith.constant 0 : i32
      %dma_start3A_363 = arith.constant 0 : i32
      %dma_start3A_364 = tpu.memref_slice %arg3[%dma_start3A_362, %dma_start3A_363] : memref<100000x64xf32, #tpu.memory_space<hbm>> -> memref<100000x64xf32, #tpu.memory_space<hbm>>
      tpu.enqueue_indirect_dma source(%dma_start3A_364 : memref<100000x64xf32, #tpu.memory_space<hbm>>) target(%dma_start3A_354 : memref<128x64xf32, #tpu.memory_space<vmem>>) offsets(%dma_start3A_361 : memref<128xi32, #tpu.memory_space<vmem>>) semaphore(%arg10 : memref<!tpu.dma_semaphore, #tpu.memory_space<semaphore_mem>>)
      %dma_start3A_365 = arith.constant 1 : i32
      %dma_start3A_366 = arith.constant 2 : i32
      %dma_start3A_367 = arith.constant 1 : i32
      %dma_start3A_368 = arith.constant 0 : i32
      %dma_start3A_369 = arith.constant 0 : i32
      %dma_start3A_370 = tpu.memref_slice %arg6[%dma_start3A_367, %dma_start3A_368, %dma_start3A_369] : memref<2x512x64xf32, #tpu.memory_space<vmem>> -> memref<1x512x64xf32, #tpu.memory_space<vmem>>
      %dma_start3A_371 = tpu.memref_squeeze %dma_start3A_370 : memref<1x512x64xf32, #tpu.memory_space<vmem>> -> memref<512x64xf32, #tpu.memory_space<vmem>>
      %dma_start3A_372 = arith.constant 256 : i32
      %dma_start3A_373 = arith.constant 0 : i32
      %dma_start3A_374 = tpu.memref_slice %dma_start3A_371[%dma_start3A_372, %dma_start3A_373] : memref<512x64xf32, #tpu.memory_space<vmem>> -> memref<128x64xf32, #tpu.memory_space<vmem>>
      %dma_start3A_375 = arith.constant 0 : i32
      %dma_start3A_376 = arith.constant 0 : i32
      %dma_start3A_377 = tpu.memref_slice %arg5[%dma_start3A_365, %dma_start3A_375, %dma_start3A_376] : memref<2x4x128xi32, #tpu.memory_space<vmem>> -> memref<1x4x128xi32, #tpu.memory_space<vmem>>
      %dma_start3A_378 = tpu.memref_squeeze %dma_start3A_377 : memref<1x4x128xi32, #tpu.memory_space<vmem>> -> memref<4x128xi32, #tpu.memory_space<vmem>>
      %dma_start3A_379 = arith.constant 0 : i32
      %dma_start3A_380 = tpu.memref_slice %dma_start3A_378[%dma_start3A_366, %dma_start3A_379] : memref<4x128xi32, #tpu.memory_space<vmem>> -> memref<1x128xi32, #tpu.memory_space<vmem>>
      %dma_start3A_381 = tpu.memref_squeeze %dma_start3A_380 : memref<1x128xi32, #tpu.memory_space<vmem>> -> memref<128xi32, #tpu.memory_space<vmem>>
      %dma_start3A_382 = arith.constant 0 : i32
      %dma_start3A_383 = arith.constant 0 : i32
      %dma_start3A_384 = tpu.memref_slice %arg3[%dma_start3A_382, %dma_start3A_383] : memref<100000x64xf32, #tpu.memory_space<hbm>> -> memref<100000x64xf32, #tpu.memory_space<hbm>>
      tpu.enqueue_indirect_dma source(%dma_start3A_384 : memref<100000x64xf32, #tpu.memory_space<hbm>>) target(%dma_start3A_374 : memref<128x64xf32, #tpu.memory_space<vmem>>) offsets(%dma_start3A_381 : memref<128xi32, #tpu.memory_space<vmem>>) semaphore(%arg10 : memref<!tpu.dma_semaphore, #tpu.memory_space<semaphore_mem>>)
      %dma_start3A_385 = arith.constant 1 : i32
      %dma_start3A_386 = arith.constant 3 : i32
      %dma_start3A_387 = arith.constant 1 : i32
      %dma_start3A_388 = arith.constant 0 : i32
      %dma_start3A_389 = arith.constant 0 : i32
      %dma_start3A_390 = tpu.memref_slice %arg6[%dma_start3A_387, %dma_start3A_388, %dma_start3A_389] : memref<2x512x64xf32, #tpu.memory_space<vmem>> -> memref<1x512x64xf32, #tpu.memory_space<vmem>>
      %dma_start3A_391 = tpu.memref_squeeze %dma_start3A_390 : memref<1x512x64xf32, #tpu.memory_space<vmem>> -> memref<512x64xf32, #tpu.memory_space<vmem>>
      %dma_start3A_392 = arith.constant 384 : i32
      %dma_start3A_393 = arith.constant 0 : i32
      %dma_start3A_394 = tpu.memref_slice %dma_start3A_391[%dma_start3A_392, %dma_start3A_393] : memref<512x64xf32, #tpu.memory_space<vmem>> -> memref<128x64xf32, #tpu.memory_space<vmem>>
      %dma_start3A_395 = arith.constant 0 : i32
      %dma_start3A_396 = arith.constant 0 : i32
      %dma_start3A_397 = tpu.memref_slice %arg5[%dma_start3A_385, %dma_start3A_395, %dma_start3A_396] : memref<2x4x128xi32, #tpu.memory_space<vmem>> -> memref<1x4x128xi32, #tpu.memory_space<vmem>>
      %dma_start3A_398 = tpu.memref_squeeze %dma_start3A_397 : memref<1x4x128xi32, #tpu.memory_space<vmem>> -> memref<4x128xi32, #tpu.memory_space<vmem>>
      %dma_start3A_399 = arith.constant 0 : i32
      %dma_start3A_400 = tpu.memref_slice %dma_start3A_398[%dma_start3A_386, %dma_start3A_399] : memref<4x128xi32, #tpu.memory_space<vmem>> -> memref<1x128xi32, #tpu.memory_space<vmem>>
      %dma_start3A_401 = tpu.memref_squeeze %dma_start3A_400 : memref<1x128xi32, #tpu.memory_space<vmem>> -> memref<128xi32, #tpu.memory_space<vmem>>
      %dma_start3A_402 = arith.constant 0 : i32
      %dma_start3A_403 = arith.constant 0 : i32
      %dma_start3A_404 = tpu.memref_slice %arg3[%dma_start3A_402, %dma_start3A_403] : memref<100000x64xf32, #tpu.memory_space<hbm>> -> memref<100000x64xf32, #tpu.memory_space<hbm>>
      tpu.enqueue_indirect_dma source(%dma_start3A_404 : memref<100000x64xf32, #tpu.memory_space<hbm>>) target(%dma_start3A_394 : memref<128x64xf32, #tpu.memory_space<vmem>>) offsets(%dma_start3A_401 : memref<128xi32, #tpu.memory_space<vmem>>) semaphore(%arg10 : memref<!tpu.dma_semaphore, #tpu.memory_space<semaphore_mem>>)
      %dma_wait3A_405 = arith.constant 1 : i32
      %dma_wait3A_406 = arith.constant 0 : i32
      %dma_wait3A_407 = arith.constant 1 : i32
      %dma_wait3A_408 = arith.constant 0 : i32
      %dma_wait3A_409 = arith.constant 0 : i32
      %dma_wait3A_410 = tpu.memref_slice %arg6[%dma_wait3A_407, %dma_wait3A_408, %dma_wait3A_409] : memref<2x512x64xf32, #tpu.memory_space<vmem>> -> memref<1x512x64xf32, #tpu.memory_space<vmem>>
      %dma_wait3A_411 = tpu.memref_squeeze %dma_wait3A_410 : memref<1x512x64xf32, #tpu.memory_space<vmem>> -> memref<512x64xf32, #tpu.memory_space<vmem>>
      %dma_wait3A_412 = arith.constant 0 : i32
      %dma_wait3A_413 = arith.constant 0 : i32
      %dma_wait3A_414 = tpu.memref_slice %dma_wait3A_411[%dma_wait3A_412, %dma_wait3A_413] : memref<512x64xf32, #tpu.memory_space<vmem>> -> memref<128x64xf32, #tpu.memory_space<vmem>>
      %dma_wait3A_415 = arith.constant 0 : i32
      %dma_wait3A_416 = arith.constant 0 : i32
      %dma_wait3A_417 = tpu.memref_slice %arg5[%dma_wait3A_405, %dma_wait3A_415, %dma_wait3A_416] : memref<2x4x128xi32, #tpu.memory_space<vmem>> -> memref<1x4x128xi32, #tpu.memory_space<vmem>>
      %dma_wait3A_418 = tpu.memref_squeeze %dma_wait3A_417 : memref<1x4x128xi32, #tpu.memory_space<vmem>> -> memref<4x128xi32, #tpu.memory_space<vmem>>
      %dma_wait3A_419 = arith.constant 0 : i32
      %dma_wait3A_420 = tpu.memref_slice %dma_wait3A_418[%dma_wait3A_406, %dma_wait3A_419] : memref<4x128xi32, #tpu.memory_space<vmem>> -> memref<1x128xi32, #tpu.memory_space<vmem>>
      %dma_wait3A_421 = tpu.memref_squeeze %dma_wait3A_420 : memref<1x128xi32, #tpu.memory_space<vmem>> -> memref<128xi32, #tpu.memory_space<vmem>>
      %dma_wait3A_422 = arith.constant 0 : i32
      %dma_wait3A_423 = arith.constant 0 : i32
      %dma_wait3A_424 = tpu.memref_slice %arg3[%dma_wait3A_422, %dma_wait3A_423] : memref<100000x64xf32, #tpu.memory_space<hbm>> -> memref<100000x64xf32, #tpu.memory_space<hbm>>
      tpu.wait_indirect_dma semaphore(%arg10 : memref<!tpu.dma_semaphore, #tpu.memory_space<semaphore_mem>>) src(%dma_wait3A_424 : memref<100000x64xf32, #tpu.memory_space<hbm>>) dst(%dma_wait3A_414 : memref<128x64xf32, #tpu.memory_space<vmem>>)
      %dma_wait3A_425 = arith.constant 1 : i32
      %dma_wait3A_426 = arith.constant 1 : i32
      %dma_wait3A_427 = arith.constant 1 : i32
      %dma_wait3A_428 = arith.constant 0 : i32
      %dma_wait3A_429 = arith.constant 0 : i32
      %dma_wait3A_430 = tpu.memref_slice %arg6[%dma_wait3A_427, %dma_wait3A_428, %dma_wait3A_429] : memref<2x512x64xf32, #tpu.memory_space<vmem>> -> memref<1x512x64xf32, #tpu.memory_space<vmem>>
      %dma_wait3A_431 = tpu.memref_squeeze %dma_wait3A_430 : memref<1x512x64xf32, #tpu.memory_space<vmem>> -> memref<512x64xf32, #tpu.memory_space<vmem>>
      %dma_wait3A_432 = arith.constant 128 : i32
      %dma_wait3A_433 = arith.constant 0 : i32
      %dma_wait3A_434 = tpu.memref_slice %dma_wait3A_431[%dma_wait3A_432, %dma_wait3A_433] : memref<512x64xf32, #tpu.memory_space<vmem>> -> memref<128x64xf32, #tpu.memory_space<vmem>>
      %dma_wait3A_435 = arith.constant 0 : i32
      %dma_wait3A_436 = arith.constant 0 : i32
      %dma_wait3A_437 = tpu.memref_slice %arg5[%dma_wait3A_425, %dma_wait3A_435, %dma_wait3A_436] : memref<2x4x128xi32, #tpu.memory_space<vmem>> -> memref<1x4x128xi32, #tpu.memory_space<vmem>>
      %dma_wait3A_438 = tpu.memref_squeeze %dma_wait3A_437 : memref<1x4x128xi32, #tpu.memory_space<vmem>> -> memref<4x128xi32, #tpu.memory_space<vmem>>
      %dma_wait3A_439 = arith.constant 0 : i32
      %dma_wait3A_440 = tpu.memref_slice %dma_wait3A_438[%dma_wait3A_426, %dma_wait3A_439] : memref<4x128xi32, #tpu.memory_space<vmem>> -> memref<1x128xi32, #tpu.memory_space<vmem>>
      %dma_wait3A_441 = tpu.memref_squeeze %dma_wait3A_440 : memref<1x128xi32, #tpu.memory_space<vmem>> -> memref<128xi32, #tpu.memory_space<vmem>>
      %dma_wait3A_442 = arith.constant 0 : i32
      %dma_wait3A_443 = arith.constant 0 : i32
      %dma_wait3A_444 = tpu.memref_slice %arg3[%dma_wait3A_442, %dma_wait3A_443] : memref<100000x64xf32, #tpu.memory_space<hbm>> -> memref<100000x64xf32, #tpu.memory_space<hbm>>
      tpu.wait_indirect_dma semaphore(%arg10 : memref<!tpu.dma_semaphore, #tpu.memory_space<semaphore_mem>>) src(%dma_wait3A_444 : memref<100000x64xf32, #tpu.memory_space<hbm>>) dst(%dma_wait3A_434 : memref<128x64xf32, #tpu.memory_space<vmem>>)
      %dma_wait3A_445 = arith.constant 1 : i32
      %dma_wait3A_446 = arith.constant 2 : i32
      %dma_wait3A_447 = arith.constant 1 : i32
      %dma_wait3A_448 = arith.constant 0 : i32
      %dma_wait3A_449 = arith.constant 0 : i32
      %dma_wait3A_450 = tpu.memref_slice %arg6[%dma_wait3A_447, %dma_wait3A_448, %dma_wait3A_449] : memref<2x512x64xf32, #tpu.memory_space<vmem>> -> memref<1x512x64xf32, #tpu.memory_space<vmem>>
      %dma_wait3A_451 = tpu.memref_squeeze %dma_wait3A_450 : memref<1x512x64xf32, #tpu.memory_space<vmem>> -> memref<512x64xf32, #tpu.memory_space<vmem>>
      %dma_wait3A_452 = arith.constant 256 : i32
      %dma_wait3A_453 = arith.constant 0 : i32
      %dma_wait3A_454 = tpu.memref_slice %dma_wait3A_451[%dma_wait3A_452, %dma_wait3A_453] : memref<512x64xf32, #tpu.memory_space<vmem>> -> memref<128x64xf32, #tpu.memory_space<vmem>>
      %dma_wait3A_455 = arith.constant 0 : i32
      %dma_wait3A_456 = arith.constant 0 : i32
      %dma_wait3A_457 = tpu.memref_slice %arg5[%dma_wait3A_445, %dma_wait3A_455, %dma_wait3A_456] : memref<2x4x128xi32, #tpu.memory_space<vmem>> -> memref<1x4x128xi32, #tpu.memory_space<vmem>>
      %dma_wait3A_458 = tpu.memref_squeeze %dma_wait3A_457 : memref<1x4x128xi32, #tpu.memory_space<vmem>> -> memref<4x128xi32, #tpu.memory_space<vmem>>
      %dma_wait3A_459 = arith.constant 0 : i32
      %dma_wait3A_460 = tpu.memref_slice %dma_wait3A_458[%dma_wait3A_446, %dma_wait3A_459] : memref<4x128xi32, #tpu.memory_space<vmem>> -> memref<1x128xi32, #tpu.memory_space<vmem>>
      %dma_wait3A_461 = tpu.memref_squeeze %dma_wait3A_460 : memref<1x128xi32, #tpu.memory_space<vmem>> -> memref<128xi32, #tpu.memory_space<vmem>>
      %dma_wait3A_462 = arith.constant 0 : i32
      %dma_wait3A_463 = arith.constant 0 : i32
      %dma_wait3A_464 = tpu.memref_slice %arg3[%dma_wait3A_462, %dma_wait3A_463] : memref<100000x64xf32, #tpu.memory_space<hbm>> -> memref<100000x64xf32, #tpu.memory_space<hbm>>
      tpu.wait_indirect_dma semaphore(%arg10 : memref<!tpu.dma_semaphore, #tpu.memory_space<semaphore_mem>>) src(%dma_wait3A_464 : memref<100000x64xf32, #tpu.memory_space<hbm>>) dst(%dma_wait3A_454 : memref<128x64xf32, #tpu.memory_space<vmem>>)
      %dma_wait3A_465 = arith.constant 1 : i32
      %dma_wait3A_466 = arith.constant 3 : i32
      %dma_wait3A_467 = arith.constant 1 : i32
      %dma_wait3A_468 = arith.constant 0 : i32
      %dma_wait3A_469 = arith.constant 0 : i32
      %dma_wait3A_470 = tpu.memref_slice %arg6[%dma_wait3A_467, %dma_wait3A_468, %dma_wait3A_469] : memref<2x512x64xf32, #tpu.memory_space<vmem>> -> memref<1x512x64xf32, #tpu.memory_space<vmem>>
      %dma_wait3A_471 = tpu.memref_squeeze %dma_wait3A_470 : memref<1x512x64xf32, #tpu.memory_space<vmem>> -> memref<512x64xf32, #tpu.memory_space<vmem>>
      %dma_wait3A_472 = arith.constant 384 : i32
      %dma_wait3A_473 = arith.constant 0 : i32
      %dma_wait3A_474 = tpu.memref_slice %dma_wait3A_471[%dma_wait3A_472, %dma_wait3A_473] : memref<512x64xf32, #tpu.memory_space<vmem>> -> memref<128x64xf32, #tpu.memory_space<vmem>>
      %dma_wait3A_475 = arith.constant 0 : i32
      %dma_wait3A_476 = arith.constant 0 : i32
      %dma_wait3A_477 = tpu.memref_slice %arg5[%dma_wait3A_465, %dma_wait3A_475, %dma_wait3A_476] : memref<2x4x128xi32, #tpu.memory_space<vmem>> -> memref<1x4x128xi32, #tpu.memory_space<vmem>>
      %dma_wait3A_478 = tpu.memref_squeeze %dma_wait3A_477 : memref<1x4x128xi32, #tpu.memory_space<vmem>> -> memref<4x128xi32, #tpu.memory_space<vmem>>
      %dma_wait3A_479 = arith.constant 0 : i32
      %dma_wait3A_480 = tpu.memref_slice %dma_wait3A_478[%dma_wait3A_466, %dma_wait3A_479] : memref<4x128xi32, #tpu.memory_space<vmem>> -> memref<1x128xi32, #tpu.memory_space<vmem>>
      %dma_wait3A_481 = tpu.memref_squeeze %dma_wait3A_480 : memref<1x128xi32, #tpu.memory_space<vmem>> -> memref<128xi32, #tpu.memory_space<vmem>>
      %dma_wait3A_482 = arith.constant 0 : i32
      %dma_wait3A_483 = arith.constant 0 : i32
      %dma_wait3A_484 = tpu.memref_slice %arg3[%dma_wait3A_482, %dma_wait3A_483] : memref<100000x64xf32, #tpu.memory_space<hbm>> -> memref<100000x64xf32, #tpu.memory_space<hbm>>
      tpu.wait_indirect_dma semaphore(%arg10 : memref<!tpu.dma_semaphore, #tpu.memory_space<semaphore_mem>>) src(%dma_wait3A_484 : memref<100000x64xf32, #tpu.memory_space<hbm>>) dst(%dma_wait3A_474 : memref<128x64xf32, #tpu.memory_space<vmem>>)
      %add3A_485 = arith.constant 2 : i32
      %add3A_486 = arith.addi %add3A_304, %add3A_485 : i32
      %lt3A_487 = arith.cmpi slt, %add3A_486, %select_n3A_8 : i32
      %convert_element_type3A_488 = arith.extui %lt3A_487 : i1 to i32
      %cond3A_489 = arith.constant 0 : i32
      %cond3A_490 = arith.cmpi ne, %convert_element_type3A_488, %cond3A_489 : i32
      scf.if %cond3A_490 {
        %add3A_507 = arith.constant 2 : i32
        %add3A_508 = arith.addi %add3A_304, %add3A_507 : i32
        %add3A_509 = arith.addi %select_n3A, %add3A_508 : i32
        %mul3A_510 = arith.constant 4 : i32
        %mul3A_511 = arith.muli %add3A_509, %mul3A_510 : i32
        %dma_start3A_512 = arith.constant 1 : i32
        %dma_start3A_513 = arith.constant 0 : i32
        %dma_start3A_514 = arith.constant 0 : i32
        %dma_start3A_515 = tpu.memref_slice %arg5[%dma_start3A_512, %dma_start3A_513, %dma_start3A_514] : memref<2x4x128xi32, #tpu.memory_space<vmem>> -> memref<1x4x128xi32, #tpu.memory_space<vmem>>
        %dma_start3A_516 = tpu.memref_squeeze %dma_start3A_515 : memref<1x4x128xi32, #tpu.memory_space<vmem>> -> memref<4x128xi32, #tpu.memory_space<vmem>>
        %dma_start3A_517 = arith.constant 0 : i32
        %dma_start3A_518 = tpu.memref_slice %arg2[%mul3A_511, %dma_start3A_517] : memref<6528x128xi32, #tpu.memory_space<hbm>> -> memref<4x128xi32, #tpu.memory_space<hbm>>
        %dma_start3A_519 = arith.constant 0 : i32
        %dma_start3A_520 = arith.constant 0 : i32
        %dma_start3A_521 = tpu.memref_slice %arg5[%dma_start3A_512, %dma_start3A_519, %dma_start3A_520] : memref<2x4x128xi32, #tpu.memory_space<vmem>> -> memref<1x4x128xi32, #tpu.memory_space<vmem>>
        %dma_start3A_522 = tpu.memref_squeeze %dma_start3A_521 : memref<1x4x128xi32, #tpu.memory_space<vmem>> -> memref<4x128xi32, #tpu.memory_space<vmem>>
        %dma_start3A_523 = arith.constant 0 : i32
        %dma_start3A_524 = tpu.memref_slice %arg2[%mul3A_511, %dma_start3A_523] : memref<6528x128xi32, #tpu.memory_space<hbm>> -> memref<4x128xi32, #tpu.memory_space<hbm>>
        tpu.enqueue_dma source(%dma_start3A_524 : memref<4x128xi32, #tpu.memory_space<hbm>>) target(%dma_start3A_522 : memref<4x128xi32, #tpu.memory_space<vmem>>) target_semaphore(%arg8 : memref<!tpu.dma_semaphore, #tpu.memory_space<semaphore_mem>>)
      } else {
      }
      %add3A_491 = arith.addi %select_n3A, %add3A_304 : i32
      %mul3A_492 = arith.constant 512 : i32
      %mul3A_493 = arith.muli %add3A_491, %mul3A_492 : i32
      %dma_start3A_494 = arith.constant 1 : i32
      %dma_start3A_495 = arith.constant 0 : i32
      %dma_start3A_496 = arith.constant 0 : i32
      %dma_start3A_497 = tpu.memref_slice %arg6[%dma_start3A_494, %dma_start3A_495, %dma_start3A_496] : memref<2x512x64xf32, #tpu.memory_space<vmem>> -> memref<1x512x64xf32, #tpu.memory_space<vmem>>
      %dma_start3A_498 = tpu.memref_squeeze %dma_start3A_497 : memref<1x512x64xf32, #tpu.memory_space<vmem>> -> memref<512x64xf32, #tpu.memory_space<vmem>>
      %dma_start3A_499 = arith.constant 0 : i32
      %dma_start3A_500 = tpu.memref_slice %arg4[%mul3A_493, %dma_start3A_499] : memref<835584x64xf32, #tpu.memory_space<hbm>> -> memref<512x64xf32, #tpu.memory_space<hbm>>
      %dma_start3A_501 = arith.constant 0 : i32
      %dma_start3A_502 = tpu.memref_slice %arg4[%mul3A_493, %dma_start3A_501] : memref<835584x64xf32, #tpu.memory_space<hbm>> -> memref<512x64xf32, #tpu.memory_space<hbm>>
      %dma_start3A_503 = arith.constant 0 : i32
      %dma_start3A_504 = arith.constant 0 : i32
      %dma_start3A_505 = tpu.memref_slice %arg6[%dma_start3A_494, %dma_start3A_503, %dma_start3A_504] : memref<2x512x64xf32, #tpu.memory_space<vmem>> -> memref<1x512x64xf32, #tpu.memory_space<vmem>>
      %dma_start3A_506 = tpu.memref_squeeze %dma_start3A_505 : memref<1x512x64xf32, #tpu.memory_space<vmem>> -> memref<512x64xf32, #tpu.memory_space<vmem>>
      tpu.enqueue_dma source(%dma_start3A_506 : memref<512x64xf32, #tpu.memory_space<vmem>>) target(%dma_start3A_502 : memref<512x64xf32, #tpu.memory_space<hbm>>) target_semaphore(%arg12 : memref<!tpu.dma_semaphore, #tpu.memory_space<semaphore_mem>>)
    }
    %dma_wait3A = arith.constant 0 : i32
    %dma_wait3A_69 = arith.constant 0 : i32
    %dma_wait3A_70 = arith.constant 0 : i32
    %dma_wait3A_71 = tpu.memref_slice %arg6[%dma_wait3A, %dma_wait3A_69, %dma_wait3A_70] : memref<2x512x64xf32, #tpu.memory_space<vmem>> -> memref<1x512x64xf32, #tpu.memory_space<vmem>>
    %dma_wait3A_72 = tpu.memref_squeeze %dma_wait3A_71 : memref<1x512x64xf32, #tpu.memory_space<vmem>> -> memref<512x64xf32, #tpu.memory_space<vmem>>
    %dma_wait3A_73 = arith.constant 0 : i32
    %dma_wait3A_74 = arith.constant 0 : i32
    %dma_wait3A_75 = tpu.memref_slice %arg4[%dma_wait3A_73, %dma_wait3A_74] : memref<835584x64xf32, #tpu.memory_space<hbm>> -> memref<512x64xf32, #tpu.memory_space<hbm>>
    %dma_wait3A_76 = arith.constant 0 : i32
    %dma_wait3A_77 = arith.constant 0 : i32
    %dma_wait3A_78 = tpu.memref_slice %arg4[%dma_wait3A_76, %dma_wait3A_77] : memref<835584x64xf32, #tpu.memory_space<hbm>> -> memref<512x64xf32, #tpu.memory_space<hbm>>
    %dma_wait3A_79 = arith.constant 0 : i32
    %dma_wait3A_80 = arith.constant 0 : i32
    %dma_wait3A_81 = tpu.memref_slice %arg6[%dma_wait3A, %dma_wait3A_79, %dma_wait3A_80] : memref<2x512x64xf32, #tpu.memory_space<vmem>> -> memref<1x512x64xf32, #tpu.memory_space<vmem>>
    %dma_wait3A_82 = tpu.memref_squeeze %dma_wait3A_81 : memref<1x512x64xf32, #tpu.memory_space<vmem>> -> memref<512x64xf32, #tpu.memory_space<vmem>>
    tpu.wait_dma2 semaphore(%arg11 : memref<!tpu.dma_semaphore, #tpu.memory_space<semaphore_mem>>) src(%dma_wait3A_82 : memref<512x64xf32, #tpu.memory_space<vmem>>) dst(%dma_wait3A_78 : memref<512x64xf32, #tpu.memory_space<hbm>>)
    %dma_wait3A_83 = arith.constant 1 : i32
    %dma_wait3A_84 = arith.constant 0 : i32
    %dma_wait3A_85 = arith.constant 0 : i32
    %dma_wait3A_86 = tpu.memref_slice %arg6[%dma_wait3A_83, %dma_wait3A_84, %dma_wait3A_85] : memref<2x512x64xf32, #tpu.memory_space<vmem>> -> memref<1x512x64xf32, #tpu.memory_space<vmem>>
    %dma_wait3A_87 = tpu.memref_squeeze %dma_wait3A_86 : memref<1x512x64xf32, #tpu.memory_space<vmem>> -> memref<512x64xf32, #tpu.memory_space<vmem>>
    %dma_wait3A_88 = arith.constant 0 : i32
    %dma_wait3A_89 = arith.constant 0 : i32
    %dma_wait3A_90 = tpu.memref_slice %arg4[%dma_wait3A_88, %dma_wait3A_89] : memref<835584x64xf32, #tpu.memory_space<hbm>> -> memref<512x64xf32, #tpu.memory_space<hbm>>
    %dma_wait3A_91 = arith.constant 0 : i32
    %dma_wait3A_92 = arith.constant 0 : i32
    %dma_wait3A_93 = tpu.memref_slice %arg4[%dma_wait3A_91, %dma_wait3A_92] : memref<835584x64xf32, #tpu.memory_space<hbm>> -> memref<512x64xf32, #tpu.memory_space<hbm>>
    %dma_wait3A_94 = arith.constant 0 : i32
    %dma_wait3A_95 = arith.constant 0 : i32
    %dma_wait3A_96 = tpu.memref_slice %arg6[%dma_wait3A_83, %dma_wait3A_94, %dma_wait3A_95] : memref<2x512x64xf32, #tpu.memory_space<vmem>> -> memref<1x512x64xf32, #tpu.memory_space<vmem>>
    %dma_wait3A_97 = tpu.memref_squeeze %dma_wait3A_96 : memref<1x512x64xf32, #tpu.memory_space<vmem>> -> memref<512x64xf32, #tpu.memory_space<vmem>>
    tpu.wait_dma2 semaphore(%arg12 : memref<!tpu.dma_semaphore, #tpu.memory_space<semaphore_mem>>) src(%dma_wait3A_97 : memref<512x64xf32, #tpu.memory_space<vmem>>) dst(%dma_wait3A_93 : memref<512x64xf32, #tpu.memory_space<hbm>>)
    return
  }
}

module attributes {stable_mosaic.version = 14 : i64} {
  func.func @_tc_finish(%arg0: i32, %arg1: memref<6400x128xf32, #tpu.memory_space<vmem>>, %arg2: memref<64x128xf32, #tpu.memory_space<vmem>>, %arg3: memref<64x26xf32, #tpu.memory_space<vmem>>, %arg4: memref<64x26xf32, #tpu.memory_space<vmem>>, %arg5: memref<64x26xf32, #tpu.memory_space<vmem>>, %arg6: memref<64x26xf32, #tpu.memory_space<vmem>>, %arg7: memref<64x26xf32, #tpu.memory_space<vmem>>, %arg8: memref<64x26xf32, #tpu.memory_space<vmem>>, %arg9: memref<3x64xf32, #tpu.memory_space<vmem>>, %arg10: memref<1x64xf32, #tpu.memory_space<vmem>>, %arg11: memref<126x128xf32, #tpu.memory_space<vmem>>, %arg12: memref<2x64xf32, #tpu.memory_space<vmem>>, %arg13: memref<1x64xf32, #tpu.memory_space<vmem>>, %arg14: memref<1x64xf32, #tpu.memory_space<vmem>>, %arg15: memref<64x126x128xf32, #tpu.memory_space<vmem>>) attributes {dimension_semantics = [#tpu.dimension_semantics<arbitrary>], iteration_bounds = array<i64: 64>, scalar_prefetch = 0 : i64, scratch_operands = 0 : i64, tpu.core_type = #tpu.core_type<tc>, window_params = [{transform_indices = @transform_0, window_bounds = array<i64: 6400, 128>}, {transform_indices = @transform_1, window_bounds = array<i64: 64, 128>}, {transform_indices = @transform_2, window_bounds = array<i64: 64, 26>}, {transform_indices = @transform_3, window_bounds = array<i64: 64, 26>}, {transform_indices = @transform_4, window_bounds = array<i64: 64, 26>}, {transform_indices = @transform_5, window_bounds = array<i64: 64, 26>}, {transform_indices = @transform_6, window_bounds = array<i64: 64, 26>}, {transform_indices = @transform_7, window_bounds = array<i64: 64, 26>}, {pipeline_mode = #tpu.pipeline_mode<synchronous>, transform_indices = @transform_8, window_bounds = array<i64: 3, 64>}, {pipeline_mode = #tpu.pipeline_mode<synchronous>, transform_indices = @transform_9, window_bounds = array<i64: 1, 64>}, {pipeline_mode = #tpu.pipeline_mode<synchronous>, transform_indices = @transform_10, window_bounds = array<i64: 126, 128>}, {pipeline_mode = #tpu.pipeline_mode<synchronous>, transform_indices = @transform_11, window_bounds = array<i64: 2, 64>}, {pipeline_mode = #tpu.pipeline_mode<synchronous>, transform_indices = @transform_12, window_bounds = array<i64: 1, 64>}, {pipeline_mode = #tpu.pipeline_mode<synchronous>, transform_indices = @transform_13, window_bounds = array<i64: 1, 64>}, {transform_indices = @transform_14, window_bounds = array<i64: 64, 126, 128>}]} {
    %get3A = arith.constant 0 : index
    %get3A_0 = arith.constant 0 : index
    %get3A_1 = vector.load %arg13[%get3A, %get3A_0] : memref<1x64xf32, #tpu.memory_space<vmem>>, vector<1x64xf32>
    %get3A_2 = arith.constant 0 : index
    %get3A_3 = arith.constant 0 : index
    %get3A_4 = vector.load %arg13[%get3A_2, %get3A_3] : memref<1x64xf32, #tpu.memory_space<vmem>>, vector<1x64xf32>
    %concatenate3A = tpu.concatenate %get3A_1, %get3A_4 in 1 : vector<1x64xf32>, vector<1x64xf32> -> vector<1x128xf32>
    %get3A_5 = arith.constant 0 : index
    %get3A_6 = arith.constant 0 : index
    %get3A_7 = vector.load %arg14[%get3A_5, %get3A_6] : memref<1x64xf32, #tpu.memory_space<vmem>>, vector<1x64xf32>
    %get3A_8 = arith.constant 0 : index
    %get3A_9 = arith.constant 0 : index
    %get3A_10 = vector.load %arg14[%get3A_8, %get3A_9] : memref<1x64xf32, #tpu.memory_space<vmem>>, vector<1x64xf32>
    %concatenate3A_11 = tpu.concatenate %get3A_7, %get3A_10 in 1 : vector<1x64xf32>, vector<1x64xf32> -> vector<1x128xf32>
    %get3A_12 = arith.constant 0 : index
    %get3A_13 = arith.constant 0 : index
    %get3A_14 = vector.load %arg12[%get3A_12, %get3A_13] : memref<2x64xf32, #tpu.memory_space<vmem>>, vector<1x64xf32>
    %concatenate3A_15 = tpu.concatenate %get3A_14, %get3A_14 in 1 : vector<1x64xf32>, vector<1x64xf32> -> vector<1x128xf32>
    %broadcast_in_dim3A = vector.shape_cast %concatenate3A_15 : vector<1x128xf32> to vector<1x1x128xf32>
    %get3A_16 = arith.constant 1 : index
    %get3A_17 = arith.constant 0 : index
    %get3A_18 = vector.load %arg12[%get3A_16, %get3A_17] : memref<2x64xf32, #tpu.memory_space<vmem>>, vector<1x64xf32>
    %concatenate3A_19 = tpu.concatenate %get3A_18, %get3A_18 in 1 : vector<1x64xf32>, vector<1x64xf32> -> vector<1x128xf32>
    %broadcast_in_dim3A_20 = vector.shape_cast %concatenate3A_19 : vector<1x128xf32> to vector<1x1x128xf32>
    %iota3A = tpu.iota {dimensions = array<i32: 0>} : vector<128x128xi32>
    %jit3A = arith.constant 64 : i32
    %div3A = vector.broadcast %jit3A : i32 to vector<128x128xi32>
    %div3A_21 = arith.divsi %iota3A, %div3A : vector<128x128xi32>
    %sign3A = arith.constant 0 : i32
    %sign3A_22 = vector.broadcast %sign3A : i32 to vector<128x128xi32>
    %sign3A_23 = arith.cmpi sgt, %iota3A, %sign3A_22 : vector<128x128xi32>
    %sign3A_24 = arith.extui %sign3A_23 : vector<128x128xi1> to vector<128x128xi32>
    %sign3A_25 = arith.constant 0 : i32
    %sign3A_26 = vector.broadcast %sign3A_25 : i32 to vector<128x128xi32>
    %sign3A_27 = arith.cmpi slt, %iota3A, %sign3A_26 : vector<128x128xi32>
    %sign3A_28 = arith.extui %sign3A_27 : vector<128x128xi1> to vector<128x128xi32>
    %sign3A_29 = arith.subi %sign3A_24, %sign3A_28 : vector<128x128xi32>
    %sign3A_30 = arith.constant 0 : i32
    %sign3A_31 = arith.cmpi sgt, %jit3A, %sign3A_30 : i32
    %sign3A_32 = arith.extui %sign3A_31 : i1 to i32
    %sign3A_33 = arith.constant 0 : i32
    %sign3A_34 = arith.cmpi slt, %jit3A, %sign3A_33 : i32
    %sign3A_35 = arith.extui %sign3A_34 : i1 to i32
    %sign3A_36 = arith.subi %sign3A_32, %sign3A_35 : i32
    %ne3A = vector.broadcast %sign3A_36 : i32 to vector<128x128xi32>
    %ne3A_37 = arith.cmpi ne, %sign3A_29, %ne3A : vector<128x128xi32>
    %rem3A = vector.broadcast %jit3A : i32 to vector<128x128xi32>
    %rem3A_38 = arith.remsi %iota3A, %rem3A : vector<128x128xi32>
    %ne3A_39 = arith.constant 0 : i32
    %ne3A_40 = vector.broadcast %ne3A_39 : i32 to vector<128x128xi32>
    %ne3A_41 = arith.cmpi ne, %rem3A_38, %ne3A_40 : vector<128x128xi32>
    %and3A = arith.andi %ne3A_37, %ne3A_41 : vector<128x128xi1>
    %sub3A = arith.constant 1 : i32
    %sub3A_42 = vector.broadcast %sub3A : i32 to vector<128x128xi32>
    %sub3A_43 = arith.subi %div3A_21, %sub3A_42 : vector<128x128xi32>
    %select_n3A = arith.select %and3A, %sub3A_43, %div3A_21 : vector<128x128xi1>, vector<128x128xi32>
    %iota3A_44 = tpu.iota {dimensions = array<i32: 1>} : vector<128x128xi32>
    %jit3A_45 = arith.constant 64 : i32
    %div3A_46 = vector.broadcast %jit3A_45 : i32 to vector<128x128xi32>
    %div3A_47 = arith.divsi %iota3A_44, %div3A_46 : vector<128x128xi32>
    %sign3A_48 = arith.constant 0 : i32
    %sign3A_49 = vector.broadcast %sign3A_48 : i32 to vector<128x128xi32>
    %sign3A_50 = arith.cmpi sgt, %iota3A_44, %sign3A_49 : vector<128x128xi32>
    %sign3A_51 = arith.extui %sign3A_50 : vector<128x128xi1> to vector<128x128xi32>
    %sign3A_52 = arith.constant 0 : i32
    %sign3A_53 = vector.broadcast %sign3A_52 : i32 to vector<128x128xi32>
    %sign3A_54 = arith.cmpi slt, %iota3A_44, %sign3A_53 : vector<128x128xi32>
    %sign3A_55 = arith.extui %sign3A_54 : vector<128x128xi1> to vector<128x128xi32>
    %sign3A_56 = arith.subi %sign3A_51, %sign3A_55 : vector<128x128xi32>
    %sign3A_57 = arith.constant 0 : i32
    %sign3A_58 = arith.cmpi sgt, %jit3A_45, %sign3A_57 : i32
    %sign3A_59 = arith.extui %sign3A_58 : i1 to i32
    %sign3A_60 = arith.constant 0 : i32
    %sign3A_61 = arith.cmpi slt, %jit3A_45, %sign3A_60 : i32
    %sign3A_62 = arith.extui %sign3A_61 : i1 to i32
    %sign3A_63 = arith.subi %sign3A_59, %sign3A_62 : i32
    %ne3A_64 = vector.broadcast %sign3A_63 : i32 to vector<128x128xi32>
    %ne3A_65 = arith.cmpi ne, %sign3A_56, %ne3A_64 : vector<128x128xi32>
    %rem3A_66 = vector.broadcast %jit3A_45 : i32 to vector<128x128xi32>
    %rem3A_67 = arith.remsi %iota3A_44, %rem3A_66 : vector<128x128xi32>
    %ne3A_68 = arith.constant 0 : i32
    %ne3A_69 = vector.broadcast %ne3A_68 : i32 to vector<128x128xi32>
    %ne3A_70 = arith.cmpi ne, %rem3A_67, %ne3A_69 : vector<128x128xi32>
    %and3A_71 = arith.andi %ne3A_65, %ne3A_70 : vector<128x128xi1>
    %sub3A_72 = arith.constant 1 : i32
    %sub3A_73 = vector.broadcast %sub3A_72 : i32 to vector<128x128xi32>
    %sub3A_74 = arith.subi %div3A_47, %sub3A_73 : vector<128x128xi32>
    %select_n3A_75 = arith.select %and3A_71, %sub3A_74, %div3A_47 : vector<128x128xi1>, vector<128x128xi32>
    %eq3A = arith.cmpi eq, %select_n3A, %select_n3A_75 : vector<128x128xi32>
    %convert_element_type3A = arith.extui %eq3A : vector<128x128xi1> to vector<128x128xi32>
    %convert_element_type3A_76 = arith.sitofp %convert_element_type3A : vector<128x128xi32> to vector<128x128xf32>
    %get3A_77 = arith.constant 0 : index
    %get3A_78 = arith.constant 0 : index
    %get3A_79 = vector.load %arg9[%get3A_77, %get3A_78] : memref<3x64xf32, #tpu.memory_space<vmem>>, vector<1x64xf32>
    %get3A_80 = arith.constant 1 : index
    %get3A_81 = arith.constant 0 : index
    %get3A_82 = vector.load %arg9[%get3A_80, %get3A_81] : memref<3x64xf32, #tpu.memory_space<vmem>>, vector<1x64xf32>
    %get3A_83 = arith.constant 2 : index
    %get3A_84 = arith.constant 0 : index
    %get3A_85 = vector.load %arg9[%get3A_83, %get3A_84] : memref<3x64xf32, #tpu.memory_space<vmem>>, vector<1x64xf32>
    %get3A_86 = arith.constant 0 : index
    %get3A_87 = arith.constant 0 : index
    %get3A_88 = vector.load %arg10[%get3A_86, %get3A_87] : memref<1x64xf32, #tpu.memory_space<vmem>>, vector<1x64xf32>
    %get3A_89 = arith.constant 0 : index
    %get3A_90 = arith.constant 0 : index
    %get3A_91 = vector.load %arg3[%get3A_89, %get3A_90] : memref<64x26xf32, #tpu.memory_space<vmem>>, vector<64x26xf32>
    %broadcast_in_dim3A_92 = vector.shape_cast %get3A_91 : vector<64x26xf32> to vector<64x26x1xf32>
    %broadcast_in_dim3A_93 = vector.shape_cast %get3A_79 : vector<1x64xf32> to vector<1x1x64xf32>
    %mul3A = vector.broadcast %broadcast_in_dim3A_92 : vector<64x26x1xf32> to vector<64x26x64xf32>
    %mul3A_94 = vector.broadcast %broadcast_in_dim3A_93 : vector<1x1x64xf32> to vector<64x26x64xf32>
    %mul3A_95 = arith.mulf %mul3A, %mul3A_94 : vector<64x26x64xf32>
    %get3A_96 = arith.constant 0 : index
    %get3A_97 = arith.constant 0 : index
    %get3A_98 = vector.load %arg4[%get3A_96, %get3A_97] : memref<64x26xf32, #tpu.memory_space<vmem>>, vector<64x26xf32>
    %broadcast_in_dim3A_99 = vector.shape_cast %get3A_98 : vector<64x26xf32> to vector<64x26x1xf32>
    %broadcast_in_dim3A_100 = vector.shape_cast %get3A_82 : vector<1x64xf32> to vector<1x1x64xf32>
    %mul3A_101 = vector.broadcast %broadcast_in_dim3A_99 : vector<64x26x1xf32> to vector<64x26x64xf32>
    %mul3A_102 = vector.broadcast %broadcast_in_dim3A_100 : vector<1x1x64xf32> to vector<64x26x64xf32>
    %mul3A_103 = arith.mulf %mul3A_101, %mul3A_102 : vector<64x26x64xf32>
    %add3A = arith.addf %mul3A_95, %mul3A_103 : vector<64x26x64xf32>
    %get3A_104 = arith.constant 0 : index
    %get3A_105 = arith.constant 0 : index
    %get3A_106 = vector.load %arg5[%get3A_104, %get3A_105] : memref<64x26xf32, #tpu.memory_space<vmem>>, vector<64x26xf32>
    %broadcast_in_dim3A_107 = vector.shape_cast %get3A_106 : vector<64x26xf32> to vector<64x26x1xf32>
    %broadcast_in_dim3A_108 = vector.shape_cast %get3A_85 : vector<1x64xf32> to vector<1x1x64xf32>
    %mul3A_109 = vector.broadcast %broadcast_in_dim3A_107 : vector<64x26x1xf32> to vector<64x26x64xf32>
    %mul3A_110 = vector.broadcast %broadcast_in_dim3A_108 : vector<1x1x64xf32> to vector<64x26x64xf32>
    %mul3A_111 = arith.mulf %mul3A_109, %mul3A_110 : vector<64x26x64xf32>
    %add3A_112 = arith.addf %add3A, %mul3A_111 : vector<64x26x64xf32>
    %broadcast_in_dim3A_113 = vector.shape_cast %get3A_88 : vector<1x64xf32> to vector<1x1x64xf32>
    %add3A_114 = vector.broadcast %broadcast_in_dim3A_113 : vector<1x1x64xf32> to vector<64x26x64xf32>
    %add3A_115 = arith.addf %add3A_112, %add3A_114 : vector<64x26x64xf32>
    %get3A_116 = arith.constant 0 : index
    %get3A_117 = arith.constant 0 : index
    %get3A_118 = vector.load %arg6[%get3A_116, %get3A_117] : memref<64x26xf32, #tpu.memory_space<vmem>>, vector<64x26xf32>
    %broadcast_in_dim3A_119 = vector.shape_cast %get3A_118 : vector<64x26xf32> to vector<64x26x1xf32>
    %broadcast_in_dim3A_120 = vector.shape_cast %get3A_79 : vector<1x64xf32> to vector<1x1x64xf32>
    %mul3A_121 = vector.broadcast %broadcast_in_dim3A_119 : vector<64x26x1xf32> to vector<64x26x64xf32>
    %mul3A_122 = vector.broadcast %broadcast_in_dim3A_120 : vector<1x1x64xf32> to vector<64x26x64xf32>
    %mul3A_123 = arith.mulf %mul3A_121, %mul3A_122 : vector<64x26x64xf32>
    %get3A_124 = arith.constant 0 : index
    %get3A_125 = arith.constant 0 : index
    %get3A_126 = vector.load %arg7[%get3A_124, %get3A_125] : memref<64x26xf32, #tpu.memory_space<vmem>>, vector<64x26xf32>
    %broadcast_in_dim3A_127 = vector.shape_cast %get3A_126 : vector<64x26xf32> to vector<64x26x1xf32>
    %broadcast_in_dim3A_128 = vector.shape_cast %get3A_82 : vector<1x64xf32> to vector<1x1x64xf32>
    %mul3A_129 = vector.broadcast %broadcast_in_dim3A_127 : vector<64x26x1xf32> to vector<64x26x64xf32>
    %mul3A_130 = vector.broadcast %broadcast_in_dim3A_128 : vector<1x1x64xf32> to vector<64x26x64xf32>
    %mul3A_131 = arith.mulf %mul3A_129, %mul3A_130 : vector<64x26x64xf32>
    %add3A_132 = arith.addf %mul3A_123, %mul3A_131 : vector<64x26x64xf32>
    %get3A_133 = arith.constant 0 : index
    %get3A_134 = arith.constant 0 : index
    %get3A_135 = vector.load %arg8[%get3A_133, %get3A_134] : memref<64x26xf32, #tpu.memory_space<vmem>>, vector<64x26xf32>
    %broadcast_in_dim3A_136 = vector.shape_cast %get3A_135 : vector<64x26xf32> to vector<64x26x1xf32>
    %broadcast_in_dim3A_137 = vector.shape_cast %get3A_85 : vector<1x64xf32> to vector<1x1x64xf32>
    %mul3A_138 = vector.broadcast %broadcast_in_dim3A_136 : vector<64x26x1xf32> to vector<64x26x64xf32>
    %mul3A_139 = vector.broadcast %broadcast_in_dim3A_137 : vector<1x1x64xf32> to vector<64x26x64xf32>
    %mul3A_140 = arith.mulf %mul3A_138, %mul3A_139 : vector<64x26x64xf32>
    %add3A_141 = arith.addf %add3A_132, %mul3A_140 : vector<64x26x64xf32>
    %broadcast_in_dim3A_142 = vector.shape_cast %get3A_88 : vector<1x64xf32> to vector<1x1x64xf32>
    %add3A_143 = vector.broadcast %broadcast_in_dim3A_142 : vector<1x1x64xf32> to vector<64x26x64xf32>
    %add3A_144 = arith.addf %add3A_141, %add3A_143 : vector<64x26x64xf32>
    %concatenate3A_145 = tpu.concatenate %add3A_115, %add3A_144 in 2 : vector<64x26x64xf32>, vector<64x26x64xf32> -> vector<64x26x128xf32>
    %iota3A_146 = tpu.iota {dimensions = array<i32: 1>} : vector<1x26x128xi32>
    %iota3A_147 = tpu.iota {dimensions = array<i32: 2>} : vector<1x26x128xi32>
    %eq3A_148 = arith.constant 0 : i32
    %eq3A_149 = vector.broadcast %eq3A_148 : i32 to vector<1x26x128xi32>
    %eq3A_150 = arith.cmpi eq, %iota3A_146, %eq3A_149 : vector<1x26x128xi32>
    %lt3A = arith.constant 64 : i32
    %lt3A_151 = vector.broadcast %lt3A : i32 to vector<1x26x128xi32>
    %lt3A_152 = arith.cmpi slt, %iota3A_147, %lt3A_151 : vector<1x26x128xi32>
    %and3A_153 = arith.andi %eq3A_150, %lt3A_152 : vector<1x26x128xi1>
    %eq3A_154 = arith.constant 25 : i32
    %eq3A_155 = vector.broadcast %eq3A_154 : i32 to vector<1x26x128xi32>
    %eq3A_156 = arith.cmpi eq, %iota3A_146, %eq3A_155 : vector<1x26x128xi32>
    %ge3A = arith.constant 64 : i32
    %ge3A_157 = vector.broadcast %ge3A : i32 to vector<1x26x128xi32>
    %ge3A_158 = arith.cmpi sge, %iota3A_147, %ge3A_157 : vector<1x26x128xi32>
    %and3A_159 = arith.andi %eq3A_156, %ge3A_158 : vector<1x26x128xi1>
    %or3A = arith.ori %and3A_153, %and3A_159 : vector<1x26x128xi1>
    %get3A_160 = arith.constant 0 : index
    %get3A_161 = arith.constant 0 : index
    %get3A_162 = vector.load %arg2[%get3A_160, %get3A_161] : memref<64x128xf32, #tpu.memory_space<vmem>>, vector<64x128xf32>
    %broadcast_in_dim3A_163 = vector.shape_cast %get3A_162 : vector<64x128xf32> to vector<64x1x128xf32>
    %broadcast_in_dim3A_164 = vector.shape_cast %or3A : vector<1x26x128xi1> to vector<1x26x128xi1>
    %broadcast_in_dim3A_165 = vector.broadcast %broadcast_in_dim3A_164 : vector<1x26x128xi1> to vector<64x26x128xi1>
    %broadcast_in_dim3A_166 = vector.shape_cast %broadcast_in_dim3A_163 : vector<64x1x128xf32> to vector<64x1x128xf32>
    %broadcast_in_dim3A_167 = vector.broadcast %broadcast_in_dim3A_166 : vector<64x1x128xf32> to vector<64x26x128xf32>
    %select_n3A_168 = arith.select %broadcast_in_dim3A_165, %broadcast_in_dim3A_167, %concatenate3A_145 : vector<64x26x128xi1>, vector<64x26x128xf32>
    %get3A_169 = arith.constant 0 : index
    %get3A_170 = arith.constant 0 : index
    %get3A_171 = vector.load %arg11[%get3A_169, %get3A_170] : memref<126x128xf32, #tpu.memory_space<vmem>>, vector<26x128xf32>
    %broadcast_in_dim3A_172 = vector.shape_cast %get3A_171 : vector<26x128xf32> to vector<1x26x128xf32>
    %add3A_173 = vector.broadcast %broadcast_in_dim3A_172 : vector<1x26x128xf32> to vector<64x26x128xf32>
    %add3A_174 = arith.addf %select_n3A_168, %add3A_173 : vector<64x26x128xf32>
    %add3A_175 = vector.broadcast %broadcast_in_dim3A : vector<1x1x128xf32> to vector<64x26x128xf32>
    %add3A_176 = arith.addf %add3A_174, %add3A_175 : vector<64x26x128xf32>
    %reshape3A = vector.shape_cast %add3A_176 : vector<64x26x128xf32> to vector<1664x128xf32>
    %dot_general3A = arith.constant dense<0.000000e+00> : vector<1664x128xf32>
    %dot_general3A_177 = tpu.matmul %reshape3A, %convert_element_type3A_76, %dot_general3A {dimension_numbers = #tpu.dot_dimension_numbers<[1], [0], [0], [1], [0, 0, 1, 1], [], []>, transpose_lhs_hint = false} : vector<1664x128xf32>, vector<128x128xf32>, vector<1664x128xf32> -> vector<1664x128xf32>
    %mul3A_178 = arith.mulf %reshape3A, %reshape3A : vector<1664x128xf32>
    %dot_general3A_179 = arith.constant dense<0.000000e+00> : vector<1664x128xf32>
    %dot_general3A_180 = tpu.matmul %mul3A_178, %convert_element_type3A_76, %dot_general3A_179 {dimension_numbers = #tpu.dot_dimension_numbers<[1], [0], [0], [1], [0, 0, 1, 1], [], []>, transpose_lhs_hint = false} : vector<1664x128xf32>, vector<128x128xf32>, vector<1664x128xf32> -> vector<1664x128xf32>
    %mul3A_181 = arith.constant 1.562500e-02 : f32
    %mul3A_182 = vector.broadcast %mul3A_181 : f32 to vector<1664x128xf32>
    %mul3A_183 = arith.mulf %dot_general3A_177, %mul3A_182 : vector<1664x128xf32>
    %mul3A_184 = arith.constant 1.562500e-02 : f32
    %mul3A_185 = vector.broadcast %mul3A_184 : f32 to vector<1664x128xf32>
    %mul3A_186 = arith.mulf %dot_general3A_180, %mul3A_185 : vector<1664x128xf32>
    %mul3A_187 = arith.mulf %mul3A_183, %mul3A_183 : vector<1664x128xf32>
    %sub3A_188 = arith.subf %mul3A_186, %mul3A_187 : vector<1664x128xf32>
    %sub3A_189 = arith.subf %reshape3A, %mul3A_183 : vector<1664x128xf32>
    %add3A_190 = arith.constant 9.99999974E-6 : f32
    %add3A_191 = vector.broadcast %add3A_190 : f32 to vector<1664x128xf32>
    %add3A_192 = arith.addf %sub3A_188, %add3A_191 : vector<1664x128xf32>
    %rsqrt3A = math.rsqrt %add3A_192 : vector<1664x128xf32>
    %mul3A_193 = arith.mulf %sub3A_189, %rsqrt3A : vector<1664x128xf32>
    %mul3A_194 = vector.broadcast %concatenate3A : vector<1x128xf32> to vector<1664x128xf32>
    %mul3A_195 = arith.mulf %mul3A_193, %mul3A_194 : vector<1664x128xf32>
    %add3A_196 = vector.broadcast %concatenate3A_11 : vector<1x128xf32> to vector<1664x128xf32>
    %add3A_197 = arith.addf %mul3A_195, %add3A_196 : vector<1664x128xf32>
    %reshape3A_198 = vector.shape_cast %add3A_197 : vector<1664x128xf32> to vector<64x26x128xf32>
    %swap3A = arith.constant 0 : index
    %swap3A_199 = arith.constant 0 : index
    %swap3A_200 = arith.constant 0 : index
    %swap3A_201 = vector.load %arg15[%swap3A, %swap3A_199, %swap3A_200] : memref<64x126x128xf32, #tpu.memory_space<vmem>>, vector<64x26x128xf32>
    tpu.vector_store %arg15[%swap3A, %swap3A_199, %swap3A_200], %reshape3A_198 {strides = array<i32>} : memref<64x126x128xf32, #tpu.memory_space<vmem>>, vector<64x26x128xf32>,
    %get3A_202 = arith.constant 0 : index
    %get3A_203 = arith.constant 0 : index
    %get3A_204 = vector.load %arg1[%get3A_202, %get3A_203] : memref<6400x128xf32, #tpu.memory_space<vmem>>, vector<6400x128xf32>
    %reshape3A_205 = vector.shape_cast %get3A_204 : vector<6400x128xf32> to vector<64x100x128xf32>
    %get3A_206 = arith.constant 26 : index
    %get3A_207 = arith.constant 0 : index
    %get3A_208 = vector.load %arg11[%get3A_206, %get3A_207] : memref<126x128xf32, #tpu.memory_space<vmem>>, vector<100x128xf32>
    %broadcast_in_dim3A_209 = vector.shape_cast %get3A_208 : vector<100x128xf32> to vector<1x100x128xf32>
    %add3A_210 = vector.broadcast %broadcast_in_dim3A_209 : vector<1x100x128xf32> to vector<64x100x128xf32>
    %add3A_211 = arith.addf %reshape3A_205, %add3A_210 : vector<64x100x128xf32>
    %add3A_212 = vector.broadcast %broadcast_in_dim3A_20 : vector<1x1x128xf32> to vector<64x100x128xf32>
    %add3A_213 = arith.addf %add3A_211, %add3A_212 : vector<64x100x128xf32>
    %reshape3A_214 = vector.shape_cast %add3A_213 : vector<64x100x128xf32> to vector<6400x128xf32>
    %dot_general3A_215 = arith.constant dense<0.000000e+00> : vector<6400x128xf32>
    %dot_general3A_216 = tpu.matmul %reshape3A_214, %convert_element_type3A_76, %dot_general3A_215 {dimension_numbers = #tpu.dot_dimension_numbers<[1], [0], [0], [1], [0, 0, 1, 1], [], []>, transpose_lhs_hint = false} : vector<6400x128xf32>, vector<128x128xf32>, vector<6400x128xf32> -> vector<6400x128xf32>
    %mul3A_217 = arith.mulf %reshape3A_214, %reshape3A_214 : vector<6400x128xf32>
    %dot_general3A_218 = arith.constant dense<0.000000e+00> : vector<6400x128xf32>
    %dot_general3A_219 = tpu.matmul %mul3A_217, %convert_element_type3A_76, %dot_general3A_218 {dimension_numbers = #tpu.dot_dimension_numbers<[1], [0], [0], [1], [0, 0, 1, 1], [], []>, transpose_lhs_hint = false} : vector<6400x128xf32>, vector<128x128xf32>, vector<6400x128xf32> -> vector<6400x128xf32>
    %mul3A_220 = arith.constant 1.562500e-02 : f32
    %mul3A_221 = vector.broadcast %mul3A_220 : f32 to vector<6400x128xf32>
    %mul3A_222 = arith.mulf %dot_general3A_216, %mul3A_221 : vector<6400x128xf32>
    %mul3A_223 = arith.constant 1.562500e-02 : f32
    %mul3A_224 = vector.broadcast %mul3A_223 : f32 to vector<6400x128xf32>
    %mul3A_225 = arith.mulf %dot_general3A_219, %mul3A_224 : vector<6400x128xf32>
    %mul3A_226 = arith.mulf %mul3A_222, %mul3A_222 : vector<6400x128xf32>
    %sub3A_227 = arith.subf %mul3A_225, %mul3A_226 : vector<6400x128xf32>
    %sub3A_228 = arith.subf %reshape3A_214, %mul3A_222 : vector<6400x128xf32>
    %add3A_229 = arith.constant 9.99999974E-6 : f32
    %add3A_230 = vector.broadcast %add3A_229 : f32 to vector<6400x128xf32>
    %add3A_231 = arith.addf %sub3A_227, %add3A_230 : vector<6400x128xf32>
    %rsqrt3A_232 = math.rsqrt %add3A_231 : vector<6400x128xf32>
    %mul3A_233 = arith.mulf %sub3A_228, %rsqrt3A_232 : vector<6400x128xf32>
    %mul3A_234 = vector.broadcast %concatenate3A : vector<1x128xf32> to vector<6400x128xf32>
    %mul3A_235 = arith.mulf %mul3A_233, %mul3A_234 : vector<6400x128xf32>
    %add3A_236 = vector.broadcast %concatenate3A_11 : vector<1x128xf32> to vector<6400x128xf32>
    %add3A_237 = arith.addf %mul3A_235, %add3A_236 : vector<6400x128xf32>
    %reshape3A_238 = vector.shape_cast %add3A_237 : vector<6400x128xf32> to vector<64x100x128xf32>
    %swap3A_239 = arith.constant 0 : index
    %swap3A_240 = arith.constant 26 : index
    %swap3A_241 = arith.constant 0 : index
    %swap3A_242 = vector.load %arg15[%swap3A_239, %swap3A_240, %swap3A_241] : memref<64x126x128xf32, #tpu.memory_space<vmem>>, vector<64x100x128xf32>
    tpu.vector_store %arg15[%swap3A_239, %swap3A_240, %swap3A_241], %reshape3A_238 {strides = array<i32>} : memref<64x126x128xf32, #tpu.memory_space<vmem>>, vector<64x100x128xf32>,
    return
  }
  func.func @transform_0(%arg0: i32) -> (i32, i32) {
    %c0_i32 = arith.constant 0 : i32
    %c0_i32_0 = arith.constant 0 : i32
    return %arg0, %c0_i32 : i32, i32
  }
  func.func @transform_1(%arg0: i32) -> (i32, i32) {
    %add3A = arith.constant 6400 : i32
    %add3A_0 = arith.addi %add3A, %arg0 : i32
    %c0_i32 = arith.constant 0 : i32
    %c0_i32_1 = arith.constant 0 : i32
    return %add3A_0, %c0_i32 : i32, i32
  }
  func.func @transform_2(%arg0: i32) -> (i32, i32) {
    %c0_i32 = arith.constant 0 : i32
    %c0_i32_0 = arith.constant 0 : i32
    return %arg0, %c0_i32 : i32, i32
  }
  func.func @transform_3(%arg0: i32) -> (i32, i32) {
    %c0_i32 = arith.constant 0 : i32
    %c0_i32_0 = arith.constant 0 : i32
    return %arg0, %c0_i32 : i32, i32
  }
  func.func @transform_4(%arg0: i32) -> (i32, i32) {
    %c0_i32 = arith.constant 0 : i32
    %c0_i32_0 = arith.constant 0 : i32
    return %arg0, %c0_i32 : i32, i32
  }
  func.func @transform_5(%arg0: i32) -> (i32, i32) {
    %c0_i32 = arith.constant 0 : i32
    %c0_i32_0 = arith.constant 0 : i32
    return %arg0, %c0_i32 : i32, i32
  }
  func.func @transform_6(%arg0: i32) -> (i32, i32) {
    %c0_i32 = arith.constant 0 : i32
    %c0_i32_0 = arith.constant 0 : i32
    return %arg0, %c0_i32 : i32, i32
  }
  func.func @transform_7(%arg0: i32) -> (i32, i32) {
    %c0_i32 = arith.constant 0 : i32
    %c0_i32_0 = arith.constant 0 : i32
    return %arg0, %c0_i32 : i32, i32
  }
  func.func @transform_8(%arg0: i32) -> (i32, i32) {
    %c0_i32 = arith.constant 0 : i32
    %c0_i32_0 = arith.constant 0 : i32
    %c0_i32_1 = arith.constant 0 : i32
    return %c0_i32, %c0_i32_0 : i32, i32
  }
  func.func @transform_9(%arg0: i32) -> (i32, i32) {
    %c0_i32 = arith.constant 0 : i32
    %c0_i32_0 = arith.constant 0 : i32
    %c0_i32_1 = arith.constant 0 : i32
    return %c0_i32, %c0_i32_0 : i32, i32
  }
  func.func @transform_10(%arg0: i32) -> (i32, i32) {
    %c0_i32 = arith.constant 0 : i32
    %c0_i32_0 = arith.constant 0 : i32
    %c0_i32_1 = arith.constant 0 : i32
    return %c0_i32, %c0_i32_0 : i32, i32
  }
  func.func @transform_11(%arg0: i32) -> (i32, i32) {
    %c0_i32 = arith.constant 0 : i32
    %c0_i32_0 = arith.constant 0 : i32
    %c0_i32_1 = arith.constant 0 : i32
    return %c0_i32, %c0_i32_0 : i32, i32
  }
  func.func @transform_12(%arg0: i32) -> (i32, i32) {
    %c0_i32 = arith.constant 0 : i32
    %c0_i32_0 = arith.constant 0 : i32
    %c0_i32_1 = arith.constant 0 : i32
    return %c0_i32, %c0_i32_0 : i32, i32
  }
  func.func @transform_13(%arg0: i32) -> (i32, i32) {
    %c0_i32 = arith.constant 0 : i32
    %c0_i32_0 = arith.constant 0 : i32
    %c0_i32_1 = arith.constant 0 : i32
    return %c0_i32, %c0_i32_0 : i32, i32
  }
  func.func @transform_14(%arg0: i32) -> (i32, i32, i32) {
    %c0_i32 = arith.constant 0 : i32
    %c0_i32_0 = arith.constant 0 : i32
    %c0_i32_1 = arith.constant 0 : i32
    return %arg0, %c0_i32, %c0_i32_0 : i32, i32, i32
  }
}

</mosaic_0001>

<sc_bundles>
// kernel: kernel.4.cloned.1.call-start
scs
__scs_entry_jumppad:
0x0: {  	(pc) =	sbr.rel $0x88, $3  }
0x1: {  	(tag) =	ssettag $0x0;
	lr =	simm.s32 $0x1  }
0x2: {  	[smem:$0x3F96] =	sst lr;
	_ =	strace $0xD0000000  }
0x3: {  	_ = 	snop  }
0x4: {  	_ = 	snop  }
0x5: {  	_ = 	snop  }
0x6: {  	_ = 	snop  }
0x7: {  	_ = 	snop  }
__scs_overlays_trampoline_lowered:
0x8: {  	[smem:$0x3FA5] =	sst s0  }
0x9: {  	[smem:$0x3FA6] =	sst s1  }
0xa: {  	[smem:$0x3FA7] =	sst s2  }
0xb: {  	[smem:$0x3FA8] =	sst s3  }
0xc: {  	[smem:$0x3FA9] =	sst s4  }
0xd: {  	[smem:$0x3FAA] =	sst s5  }
0xe: {  	[smem:$0x3FAB] =	sst s6  }
0xf: {  	[smem:$0x3FAC] =	sst s7  }
0x10: {  	[smem:$0x3FAD] =	sst s8  }
0x11: {  	[smem:$0x3FAE] =	sst s9;
	s0 =	simm.s32 @!p0 $0x0  }
0x12: {  	s1 =	sld [smem:$0x3F94];
	s0 =	simm.s32 @p0 $0x1  }
0x13: {  	[smem:$0x3FAF] =	sst s0;
	s0 =	simm.s32 @!p1 $0x0  }
0x14: {  	s2 =	sld [smem:$0x3F93];
	s0 =	simm.s32 @p1 $0x1  }
0x15: {  	[smem:$0x3FB0] =	sst s0;
	s0 =	simm.s32 @!p2 $0x0  }
0x16: {  	s3 =	sld [smem:$0x3FDB];
	s0 =	simm.s32 @p2 $0x1  }
0x17: {  	s4 =	simm.s32 $0x1BF5;
	[smem:$0x3FB2] =	sst s0  }
0x18: {  	s0 =	sld [smem:$0x3F95];
	_ =	swait.ge [sflag:s4], $0x0  }
0x19: {  	s7 =	sld [smem:$0x3F96]  }
0x1a: {  	s8 =	sadd.s32 $0xFFFFE003, lr  }
0x1b: {  	s9 =	sadd.s32 $0xFFFFFEF7, lr;
	s5 =	simm.s32 $0xFFFFFFFF;
	p2 =	slt.u32 s8, $0xFFFFF086  }
0x1c: {  	p1 =	slt.u32 s9, $0xF7A;
	s5 =	simm.s32 @!p2 $0x0  }
0x1d: {  	s5 =	simm.s32 @p1 $0x1;
	p0 =	seq.s32 s7, s2  }
0x1e: {  	s7 =	smul.u32 @!p0 $0xF7A, s2;
	p2 =	seq.s32 @!p0 s5, $0x0  }
0x1f: {  	s9 =	smul.u32 $0xF7A, s1;
	s8 =	simm.s32 @!p0 $0x1BF5;
	p2 =	por !p2, p0  }
0x20: {  	[sflag:s8] =	ssyncset.s32 @!p0 $0xFFFFF086;
	s6 =	sadd.s32 @!p0 s3, s7;
	s7 =	simm.s32 @!p0 $0x108  }
0x21: {  	s3 =	sadd.s32 s3, s9;
	s6 =	sadd.s32 @!p0 $0x88, s6;
	s7 =	simm.s32 @p2 $0x1082  }
0x22: {  	[simem:s7], [sflag:s8] =	dma.local @!p0 [hbm:s6], $0xF7A  }
0x23: {  	s9 =	sor.u32 $0xD0000000, s2;
	s6 =	simm.s32 $0x108;
	_ =	swait.ge @!p0 [sflag:s8], $0x0  }
0x24: {  	s3 =	sadd.s32 $0x88, s3;
	s6 =	simm.s32 @!p1 $0x1082;
	[sflag:s4] =	ssyncset.s32 $0xFFFFF086  }
0x25: {  	[simem:s6], [sflag:s4] =	dma.local [hbm:s3], $0xF7A  }
0x26: {  	[smem:$0x3F96] =	sst s1;
	(tag) =	ssettag s2;
	_ =	strace s9  }
0x27: {  	s1 =	sld [smem:$0x3FA6]  }
0x28: {  	s2 =	sld [smem:$0x3FA7]  }
0x29: {  	s4 =	sld [smem:$0x3FA9]  }
0x2a: {  	p0 =	seq.s32 s5, $0x0;
	s5 =	sld [smem:$0x3FAA]  }
0x2b: {  	s6 =	sld [smem:$0x3FAB]  }
0x2c: {  	s7 =	sld [smem:$0x3FAC]  }
0x2d: {  	s3 =	simm.s32 $0x108;
	s8 =	sld [smem:$0x3FAD]  }
0x2e: {  	s3 =	simm.s32 @!p0 $0x1082;
	s9 =	sld [smem:$0x3FAE]  }
0x2f: {  	lr =	sadd.s32 s0, s3;
	s0 =	sld [smem:$0x3FA5]  }
0x30: {  	s3 =	sld [smem:$0x3FA8]  }
0x31: {  	[smem:$0x3FB1] =	sst s10  }
0x32: {  	s10 =	sld [smem:$0x3FAF];
	_ =	sdelay $0x3  }
0x33: {  	p0 =	seq.s32 s10, $0x1;
	s10 =	sld [smem:$0x3FB1];
	_ =	sdelay $0x3  }
0x34: {  	[smem:$0x3FB1] =	sst s10  }
0x35: {  	s10 =	sld [smem:$0x3FB0];
	_ =	sdelay $0x3  }
0x36: {  	p1 =	seq.s32 s10, $0x1;
	s10 =	sld [smem:$0x3FB1];
	_ =	sdelay $0x3  }
0x37: {  	[smem:$0x3FB1] =	sst s10  }
0x38: {  	s10 =	sld [smem:$0x3FB2]  }
0x39: {  	_ = 	snop;
	(pc) =	sbr.ind lr, $3  }
0x3a: {  	_ = 	snop  }
0x3b: {  	_ = 	snop  }
0x3c: {  	p2 =	seq.s32 s10, $0x1;
	s10 =	sld [smem:$0x3FB1]  }
0x3d: {  	_ =	shalt  }
0x3e: {  	_ =	shalt  }
0x3f: {  	_ =	shalt  }
0x40: {  	_ =	shalt  }
0x41: {  	_ =	shalt  }
0x42: {  	_ =	shalt  }
0x43: {  	_ =	shalt  }
0x44: {  	_ =	shalt  }
0x45: {  	_ =	shalt  }
0x46: {  	_ =	shalt  }
0x47: {  	_ =	shalt  }
0x48: {  	_ =	shalt  }
0x49: {  	_ =	shalt  }
0x4a: {  	_ =	shalt  }
0x4b: {  	_ =	shalt  }
0x4c: {  	_ =	shalt  }
0x4d: {  	_ =	shalt  }
0x4e: {  	_ =	shalt  }
0x4f: {  	_ =	shalt  }
0x50: {  	_ =	shalt  }
0x51: {  	_ =	shalt  }
0x52: {  	_ =	shalt  }
0x53: {  	_ =	shalt  }
0x54: {  	_ =	shalt  }
0x55: {  	_ =	shalt  }
0x56: {  	_ =	shalt  }
0x57: {  	_ =	shalt  }
0x58: {  	_ =	shalt  }
0x59: {  	_ =	shalt  }
0x5a: {  	_ =	shalt  }
0x5b: {  	_ =	shalt  }
0x5c: {  	_ =	shalt  }
0x5d: {  	_ =	shalt  }
0x5e: {  	_ =	shalt  }
0x5f: {  	_ =	shalt  }
0x60: {  	_ =	shalt  }
0x61: {  	_ =	shalt  }
0x62: {  	_ =	shalt  }
0x63: {  	_ =	shalt  }
0x64: {  	_ =	shalt  }
0x65: {  	_ =	shalt  }
0x66: {  	_ =	shalt  }
0x67: {  	_ =	shalt  }
0x68: {  	_ =	shalt  }
0x69: {  	_ =	shalt  }
0x6a: {  	_ =	shalt  }
0x6b: {  	_ =	shalt  }
0x6c: {  	_ =	shalt  }
0x6d: {  	_ =	shalt  }
0x6e: {  	_ =	shalt  }
0x6f: {  	_ =	shalt  }
0x70: {  	_ =	shalt  }
0x71: {  	_ =	shalt  }
0x72: {  	_ =	shalt  }
0x73: {  	_ =	shalt  }
0x74: {  	_ =	shalt  }
0x75: {  	_ =	shalt  }
0x76: {  	_ =	shalt  }
0x77: {  	_ =	shalt  }
0x78: {  	_ =	shalt  }
0x79: {  	_ =	shalt  }
0x7a: {  	_ =	shalt  }
0x7b: {  	_ =	shalt  }
0x7c: {  	_ =	shalt  }
0x7d: {  	_ =	shalt  }
0x7e: {  	_ =	shalt  }
0x7f: {  	_ =	shalt  }
0x80: {  	_ =	shalt  }
0x81: {  	_ =	shalt  }
0x82: {  	_ =	shalt  }
0x83: {  	_ =	shalt  }
0x84: {  	_ =	shalt  }
0x85: {  	_ =	shalt  }
0x86: {  	_ =	shalt  }
0x87: {  	_ =	shalt  }
.Lfunc_end0:
.L_simem_size_0:
called_computation_lowered:
.L_overlay_start_0:
0x88: {  	s2 =	sld [smem:$0x3FD9]  }
0x89: {  	s3 =	sld [smem:$0x3FFE];
	_ =	sdelay $0x1  }
0x8a: {  	s1 =	srdreg.scid  }
0x8b: {  	s0 =	sand.u32 $0x1, s1  }
0x8c: {  	s17 =	sshll.u32 s0, $0xA;
	s2 =	sadd.s32 s3, s2  }
0x8d: {  	s2 =	sadd.s32 s2, s17  }
0x8e: {  	[smem:$0x3FBD] =	sst s2  }
0x8f: {  	_ = 	snop  }
0x90: {  	s2 =	sld [smem:$0x3FD0];
	(tm) =	ssettm $0x1  }
0x91: {  	s18 =	sld [smem:$0x3FFB];
	_ =	sdelay $0x3  }
0x92: {  	_ =	strace s18  }
0x93: {  	s3 =	sld [smem:$0x3FFC];
	_ =	sdelay $0x3  }
0x94: {  	_ =	strace s3  }
0x95: {  	s3 =	sld [smem:$0x3FFD];
	_ =	sdelay $0x3  }
0x96: {  	_ =	strace s3  }
0x97: {  	_ =	strace $0x8FFFFFFF  }
0x98: {  	s19 =	sld [smem:$0x3FDB];
	_ =	sdelay $0x1  }
0x99: {  	s4 =	simm.s32 $_scs_section_size  }
0x9a: {  	s5 =	simm.s32 $_size__tile_overlayer_lowered;
	s6 =	simm.s32 $_tile_overlayer_lowered  }
0x9b: {  	s22 =	simm.s32 $0x1BFF;
	s21 =	sshll.u32 s6, $0x1;
	s3 =	sadd.s32 s4, s19  }
0x9c: {  	s7 =	simm.s32 $0x0;
	s20 =	sshll.u32 s5, $0x1;
	s5 =	sadd.s32 s21, s3  }
0x9d: {  	[timem:s7], [sflag:s22] =	dma.local [hbm:s5], s20  }
0x9e: {  	_ =	swait.ge [sflag:s22], s20  }
0x9f: {  	s4 =	ssub.s32 $0x0, s20;
	[sflag:s22] =	ssyncset.done $0x0  }
0xa0: {  	[sflag:s22] =	ssyncadd.s32 s4;
	_ =	sdelay $0x1  }
0xa1: {  	s23 =	simm.s32 $0x1B8B  }
0xa2: {  	_ =	swait.ge [sflag:s23], $0x1  }
0xa3: {  	[sflag:s23] =	ssyncset.done $0x0  }
0xa4: {  	s25 =	simm.s32 $0x1B8E;
	s24 =	sld [smem:$0x3FFE];
	[sflag:s23] =	ssyncadd.s32 $0xFFFFFFFF  }
0xa5: {  	s26 =	simm.s32 $execute0_lowered;
	[smem:$0x3FD2] =	sst s25  }
0xa6: {  	s5 =	sshll.u32 s26, $0x1;
	_ =	strace $0x80000046;
	[dreg:$0x1] =	wrdreg $0xFFFFFFFF  }
0xa7: {  	s28 =	simm.s32 $_size_execute0_lowered;
	s3 =	sadd.s32 s3, s5;
	[dreg:$0x0] =	wrdreg $0x0  }
0xa8: {  	s5 =	sshll.u32 s28, $0x1;
	[dreg:$0x2] =	wrdreg s3  }
0xa9: {  	[dreg:$0x3] =	wrdreg s5  }
0xaa: {  	[dreg:$0x4] =	wrdreg $0xC0  }
0xab: {  	_ =	task [dreg:s7], $0x5FFFF  }
0xac: {  	[dreg:$0x1] =	wrdreg $0xFFFFFFFF  }
0xad: {  	[dreg:$0x0] =	wrdreg $0x60  }
0xae: {  	[dreg:$0x2] =	wrdreg s24  }
0xaf: {  	[dreg:$0x3] =	wrdreg s2  }
0xb0: {  	[dreg:$0x4] =	wrdreg $0x9  }
0xb1: {  	_ =	task.clear_ibuf [dreg:s7], $0x5FFFF;
	_ =	strace $0x90000046  }
0xb2: {  	s29 =	simm.s32 $0x9;
	_ =	strace $0x80000048  }
0xb3: {  	_ =	swait.ge [sflag:s29], $0x1  }
0xb4: {  	[sflag:s29] =	ssyncadd.s32 $0xFFFFFFFF  }
0xb5: {  	_ =	strace $0x90000048  }
0xb6: {  	_ =	sfence  }
0xb7: {  	s30 =	sld [smem:$0x0];
	_ =	sdelay $0x2  }
0xb8: {  	s31 =	sshll.u32 s1, $0xD;
	s1 =	sshrl.u32 s1, $0x2  }
0xb9: {  	s3 =	sand.u32 $0x4000, s31;
	s1 =	sadd.s32 s1, s30  }
0xba: {  	s0 =	sor.u32 s3, s0;
	s1 =	sshll.u32 s1, $0x11  }
0xbb: {  	s0 =	sor.u32 s1, s0  }
0xbc: {  	s0 =	sadd.s32 $0x8F2B, s0  }
0xbd: {  	[sflag:s0] =	ssyncadd.remote.s32 $0x1  }
0xbe: {  	_ =	sfence.sel $0xFFFF  }
0xbf: {  	[dreg:$0x0] =	wrdreg $0xFFFFFFFF;
	(pc) =	sbr.abs _section_cstart, $3  }
0xc0: {  	[dreg:$0x1] =	wrdreg $0xFFFFFFFF  }
0xc1: {  	_ =	task.clear_ibuf [dreg:s7], $0x2FFFF;
	_ =	strace $0x9FFFFFFF  }
0xc2: {  	(tm) =	ssettm $0x7FFFFFFF  }
0xc3: {  	_ =	shalt  }
tec
execute0_lowered:
.L_overlay_start_1:
0x0: {  	(tag) =	ssettag $0x1  }
0x1: {  	s0 =	stileid.u32;
	s3 =	rddreg [dreg:$0x0]  }
0x2: {  	s1 =	srdreg.scid;
	s6 =	rddreg [dreg:$0x1];
	s31 =	simm.s32 $0x2400  }
0x3: {  	s11 =	simm.s32 $0x100;
	s12 =	simm.s32 $0x4400;
	s13 =	simm.s32 $0x180  }
0x4: {  	s14 =	simm.s32 $0x6400;
	s15 =	simm.s32 $0x2;
	s16 =	simm.s32 $0x8400  }
0x5: {  	s17 =	simm.s32 $0x280;
	s18 =	simm.s32 $0xA400;
	s19 =	simm.s32 $0x300  }
0x6: {  	s20 =	simm.s32 $0xC400;
	s21 =	simm.s32 $0x380;
	s22 =	simm.s32 $0xE400  }
0x7: {  	s23 =	simm.s32 $0x4;
	s24 =	simm.s32 $0x5;
	s25 =	simm.s32 $0x6  }
0x8: {  	s26 =	simm.s32 $0x0;
	s2 =	smul.u32 $0x32, s0;
	s4 =	sand.u32 $0x1, s1  }
0x9: {  	p0 =	seq.s32 s4, $0x0;
	s28 =	ssub.s32 $0x2, s4;
	s4 =	simm.s32 $0x34  }
0xa: {  	s7 =	sadd.s32 $0x340, s2;
	s2 =	simm.s32 $0x0;
	s4 =	simm.s32 @!p0 $0x32  }
0xb: {  	s5 =	smul.u32 $0x34, s0;
	[smem:$0x7FF] =	sst s2;
	s10 =	sshll.u32 s4, $0xC  }
0xc: {  	s8 =	sshrl.u32 s28, $0x1;
	_ =	strace $0x80000047;
	[dreg:$0x3] =	wrdreg s10  }
0xd: {  	s7 =	smov.u32 @p0 s5;
	s8 =	ssub.s32 s28, s8;
	[dreg:$0x5] =	wrdreg s31  }
0xe: {  	s5 =	sshll.u32 s7, $0x6;
	s7 =	sshll.u32 s7, $0xC;
	[dreg:$0x6] =	wrdreg s11  }
0xf: {  	s8 =	smax.u32 s8, $0x1;
	s10 =	simm.s32 $0x200;
	[dreg:$0x7] =	wrdreg s12  }
0x10: {  	s11 =	simm.s32 $0x1;
	s12 =	simm.s32 $0x80;
	[dreg:$0x8] =	wrdreg s13  }
0x11: {  	s13 =	simm.s32 $0x400;
	[dreg:$0x9] =	wrdreg s14;
	s9 =	sadd.s32 s5, s3  }
0x12: {  	s14 =	simm.s32 $0x3;
	s6 =	sadd.s32 s7, s6;
	s29 =	sadd.s32 $0xC4E00, s9  }
0x13: {  	s3 =	sadd.s32 $0x1800, s3;
	s30 =	sadd.s32 $0x1000, s6;
	[dreg:$0xa] =	wrdreg s29  }
0x14: {  	s7 =	sadd.s32 $0xC4E40, s9;
	s9 =	sadd.s32 $0xC4E80, s9;
	[dreg:$0x4] =	wrdreg s30  }
.LBB2_1:
0x15: {  	s0 =	rddreg [dreg:$0xa]  }
0x16: {  	[tilespmem:s2], [sflag:$0x1] =	stream.linear.gather [hbm4b:s0+s2], $0x200, $0x38;
	[tilespmem:$0x10400] =	vst v63  }
0x17: {  	s28 =	simm.s32 $0x2;
	s29 =	smov.u32 s9;
	s30 =	simm.s32 $0x0  }
0x18: {  	[tilespmem:s10], [sflag:$0x2] =	stream.linear.gather [hbm4b:s7+s2], $0x200, $0x38;
	[tilespmem:$0x10400] =	vst v63  }
.LBB2_2:
0x19: {  	p0 =	seq.s32 s30, $0x0  }
0x1a: {  	s31 =	simm.s32 @!p0 $0x5  }
0x1b: {  	_ =	swait.ge @!p0 [sflag:s31], $0x8000  }
0x1c: {  	[sflag:s31] =	ssyncset.done @!p0 $0x0  }
0x1d: {  	[sflag:s31] =	ssyncadd.s32 @!p0 $0xFFFF8000  }
0x1e: {  	_ =	swait.ge [sflag:s11], $0x200  }
0x1f: {  	[sflag:s11] =	ssyncset.done $0x0;
	s0 =	rddreg [dreg:$0x5]  }
0x20: {  	s31 =	rddreg [dreg:$0x6];
	[sflag:s11] =	ssyncadd.s32 $0xFFFFFE00  }
0x21: {  	[tilespmem:s13], [sflag:$0x3] =	stream.indirect.gather [hbm4b:s3+s12], $0x40, s2, s12, $0xb8;
	[tilespmem:$0x10400] =	vst v63  }
0x22: {  	s1 =	rddreg [dreg:$0x7]  }
0x23: {  	[tilespmem:s0], [sflag:$0x3] =	stream.indirect.gather [hbm4b:s3+s12], $0x40, s12, s12, $0xb8;
	[tilespmem:$0x10400] =	vst v63  }
0x24: {  	s5 =	rddreg [dreg:$0x9]  }
0x25: {  	[tilespmem:s1], [sflag:$0x3] =	stream.indirect.gather [hbm4b:s3+s12], $0x40, s31, s12, $0xb8;
	[tilespmem:$0x10400] =	vst v63  }
0x26: {  	s0 =	rddreg [dreg:$0x8]  }
0x27: {  	[tilespmem:s5], [sflag:$0x3] =	stream.indirect.gather [hbm4b:s3+s12], $0x40, s0, s12, $0xb8;
	[tilespmem:$0x10400] =	vst v63  }
0x28: {  	_ =	swait.ge [sflag:s14], $0x2000  }
0x29: {  	[sflag:s14] =	ssyncset.done $0x0  }
0x2a: {  	[sflag:s14] =	ssyncadd.s32 $0xFFFFE000  }
0x2b: {  	_ =	swait.ge [sflag:s14], $0x2000  }
0x2c: {  	[sflag:s14] =	ssyncset.done $0x0  }
0x2d: {  	[sflag:s14] =	ssyncadd.s32 $0xFFFFE000  }
0x2e: {  	_ =	swait.ge [sflag:s14], $0x2000  }
0x2f: {  	[sflag:s14] =	ssyncset.done $0x0  }
0x30: {  	[sflag:s14] =	ssyncadd.s32 $0xFFFFE000  }
0x31: {  	_ =	swait.ge [sflag:s14], $0x2000  }
0x32: {  	p1 =	sge.u32 s28, s4;
	[sflag:s14] =	ssyncset.done $0x0  }
0x33: {  	s0 =	simm.s32 @!p1 $0x0;
	[sflag:s14] =	ssyncadd.s32 $0xFFFFE000  }
0x34: {  	[tilespmem:s0], [sflag:$0x1] =	stream.linear.gather @!p1 [hbm4b:s29+s0], $0x200, $0x38;
	[tilespmem:$0x10400] =	vst v63  }
0x35: {  	s1 =	sadd.s32 s30, s6;
	s0 =	simm.s32 @!p0 $0x6  }
0x36: {  	[hbm4b:s1+s2] =	stream.linear.scatter [tilespmem:s13], [sflag:$0x5], $0x8000, $0x38;
	[tilespmem:$0x10400] =	vst v63  }
0x37: {  	_ =	swait.ge @!p0 [sflag:s0], $0x8000  }
0x38: {  	[sflag:s0] =	ssyncset.done @!p0 $0x0  }
0x39: {  	[sflag:s0] =	ssyncadd.s32 @!p0 $0xFFFF8000  }
0x3a: {  	_ =	swait.ge [sflag:s15], $0x200  }
0x3b: {  	[sflag:s15] =	ssyncset.done $0x0  }
0x3c: {  	[sflag:s15] =	ssyncadd.s32 $0xFFFFFE00  }
0x3d: {  	[tilespmem:s16], [sflag:$0x4] =	stream.indirect.gather [hbm4b:s3+s12], $0x40, s10, s12, $0xb8;
	[tilespmem:$0x10400] =	vst v63  }
0x3e: {  	_ = 	snop  }
0x3f: {  	[tilespmem:s18], [sflag:$0x4] =	stream.indirect.gather [hbm4b:s3+s12], $0x40, s17, s12, $0xb8;
	[tilespmem:$0x10400] =	vst v63  }
0x40: {  	_ = 	snop  }
0x41: {  	[tilespmem:s20], [sflag:$0x4] =	stream.indirect.gather [hbm4b:s3+s12], $0x40, s19, s12, $0xb8;
	[tilespmem:$0x10400] =	vst v63  }
0x42: {  	_ = 	snop  }
0x43: {  	[tilespmem:s22], [sflag:$0x4] =	stream.indirect.gather [hbm4b:s3+s12], $0x40, s21, s12, $0xb8;
	[tilespmem:$0x10400] =	vst v63  }
0x44: {  	_ =	swait.ge [sflag:s23], $0x2000  }
0x45: {  	[sflag:s23] =	ssyncset.done $0x0  }
0x46: {  	[sflag:s23] =	ssyncadd.s32 $0xFFFFE000  }
0x47: {  	_ =	swait.ge [sflag:s23], $0x2000  }
0x48: {  	[sflag:s23] =	ssyncset.done $0x0  }
0x49: {  	[sflag:s23] =	ssyncadd.s32 $0xFFFFE000  }
0x4a: {  	_ =	swait.ge [sflag:s23], $0x2000  }
0x4b: {  	[sflag:s23] =	ssyncset.done $0x0  }
0x4c: {  	s5 =	sadd.s32 $0x1, s28;
	[sflag:s23] =	ssyncadd.s32 $0xFFFFE000  }
0x4d: {  	p0 =	sge.u32 s5, s4;
	_ =	swait.ge [sflag:s23], $0x2000  }
0x4e: {  	s1 =	sadd.s32 @!p0 $0x40, s29;
	s5 =	simm.s32 @!p0 $0x0;
	[sflag:s23] =	ssyncset.done $0x0  }
0x4f: {  	s31 =	simm.s32 @!p0 $0x200;
	s0 =	rddreg [dreg:$0x4];
	[sflag:s23] =	ssyncadd.s32 $0xFFFFE000  }
0x50: {  	[tilespmem:s31], [sflag:$0x2] =	stream.linear.gather @!p0 [hbm4b:s1+s5], $0x200, $0x38;
	[tilespmem:$0x10400] =	vst v63  }
0x51: {  	s0 =	sadd.s32 s30, s0;
	s30 =	sadd.s32 $0x2000, s30;
	s31 =	rddreg [dreg:$0x3]  }
0x52: {  	p0 =	sne.s32 s31, s30  }
.Ltmp0:
0x53: {  	_ = 	snop;
	(pc) =	sbr.rel @p0 .LBB2_2-.Ltmp0, $3  }
0x54: {  	_ =	sdelay $0x1  }
0x55: {  	s28 =	sadd.s32 $0x2, s28;
	s29 =	sadd.s32 $0x80, s29  }
0x56: {  	[hbm4b:s0+s2] =	stream.linear.scatter [tilespmem:s16], [sflag:$0x6], $0x8000, $0x38;
	[tilespmem:$0x10400] =	vst v63  }
0x57: {  	s26 =	sadd.s32 $0x1, s26  }
0x58: {  	_ =	swait.ge [sflag:s24], $0x8000;
	p0 =	sne.s32 s26, s8  }
.Ltmp1:
0x59: {  	[sflag:s24] =	ssyncset.done $0x0;
	(pc) =	sbr.rel @p0 .LBB2_1-.Ltmp1, $4  }
0x5a: {  	[sflag:s24] =	ssyncadd.s32 $0xFFFF8000  }
0x5b: {  	_ =	swait.ge [sflag:s25], $0x8000  }
0x5c: {  	[sflag:s25] =	ssyncset.done $0x0  }
0x5d: {  	[sflag:s25] =	ssyncadd.s32 $0xFFFF8000  }
0x5e: {  	_ =	sfence.sel $0x180000  }
0x5f: {  	[bflag:$0x0] =	sbarrier.arrive $0xFFFF  }
0x60: {  	_ =	strace $0x90000047  }
0x61: {  	s0 =	stileid.u32;
	[bflag:$0x2] =	sbarrier.arrive $0xFFFF  }
0x62: {  	p0 =	sne.s32 s0, $0x0;
	s0 =	rddreg [dreg:$0x2]  }
0x63: {  	s0 =	sadd.s32 @!p0 $0x100000, s0  }
0x64: {  	[sflag:s0] =	ssyncadd.tile.s32 @!p0 $0x1;
	_ =	shalt  }
.Lfunc_end2:
_tile_overlayer_lowered:
.L_overlay_start_2:
0x65: {  	(tag) =	ssettag $0x2  }
0x66: {  	s0 =	rddreg [dreg:$0x0];
	s2 =	stileid.u32  }
0x67: {  	s1 =	rddreg [dreg:$0x1];
	p0 =	sne.s32 s2, $0x0  }
0x68: {  	s3 =	rddreg [dreg:$0x2];
	[bflag:$0x3] =	sbarrier.arrive $0xFFFF;
	s2 =	simm.s32 @!p0 $0x1C07  }
0x69: {  	[timem:s3], [sflag:s2] =	dma.local @!p0 [hbm:s0], s1  }
0x6a: {  	s0 =	simm.s32 @!p0 $0x7  }
0x6b: {  	_ =	swait.ge @!p0 [sflag:s0], s1  }
0x6c: {  	s1 =	ssub.s32 @!p0 $0x0, s1;
	[sflag:s0] =	ssyncset.done @!p0 $0x0  }
0x6d: {  	[sflag:s0] =	ssyncadd.s32 @!p0 s1  }
0x6e: {  	[bflag:$0x3] =	sbarrier.arrive $0xFFFF  }
0x6f: {  	_ =	shalt  }

</sc_bundles>
